<compile_context>
chip_gen: v7x
topology: tpu7x:2x2x1
jax: 0.10.2.dev20260603
libtpu: 0.0.44.dev20260713+nightly
codegen_flags: <defaults>
</compile_context>

<pallas_src>
import functools

import jax
import jax.numpy as jnp
from jax import lax
from jax.experimental import pallas as pl
from jax.experimental.pallas import tpu as pltpu
from jax.experimental.pallas import tpu_sc as plsc

BUCKET = 64
N_HASHES = 8
SELF_VAL = -5e4
CPG = 8

SC_NC = 2
SC_NS = 16
SC_NW = SC_NC * SC_NS
GCHUNK = 128


def _sc_gather_body(nt, iters, idx_hbm, *rest):
    tabs = rest[:nt]
    outs = rest[nt:2 * nt]
    idx_v = rest[2 * nt:2 * nt + 2]
    rows = rest[2 * nt + 2:4 * nt + 2]
    gsems = rest[4 * nt + 2:6 * nt + 2]
    wsems = rest[6 * nt + 2:8 * nt + 2]
    wid = lax.axis_index("s") * SC_NC + lax.axis_index("c")
    base = wid * (iters * GCHUNK)

    def cs(i):
        return pl.multiple_of(base + i * GCHUNK, GCHUNK)

    def load_idx(i, s):
        pltpu.sync_copy(idx_hbm.at[pl.ds(cs(i), GCHUNK)], idx_v[s])

    def g_start(s):
        for j in range(nt):
            pltpu.async_copy(tabs[j].at[idx_v[s]], rows[2 * j + s],
                             gsems[2 * j + s])

    def g_wait(s):
        for j in range(nt):
            pltpu.make_async_copy(tabs[j].at[idx_v[s]], rows[2 * j + s],
                                  gsems[2 * j + s]).wait()

    def w_start(i, s):
        for j in range(nt):
            pltpu.async_copy(rows[2 * j + s], outs[j].at[pl.ds(cs(i), GCHUNK)],
                             wsems[2 * j + s])

    def w_wait(i, s):
        for j in range(nt):
            pltpu.make_async_copy(rows[2 * j + s],
                                  outs[j].at[pl.ds(cs(i), GCHUNK)],
                                  wsems[2 * j + s]).wait()

    for s in (0, 1):
        load_idx(s, s)
        g_start(s)

    def body(i2, carry):
        i = i2 * 2
        for s in (0, 1):
            g_wait(s)
            w_start(i + s, s)
        for s in (0, 1):
            w_wait(i + s, s)
            load_idx(i + 2 + s, s)
            g_start(s)
        return carry

    lax.fori_loop(0, iters // 2 - 1, body, None)
    i_last = iters - 2
    for s in (0, 1):
        g_wait(s)
        w_start(i_last + s, s)
    for s in (0, 1):
        w_wait(i_last + s, s)


def _sc_gather_rows(idx_flat, *tables):
    n = idx_flat.shape[0]
    nt = len(tables)
    d = tables[0].shape[1]
    iters = n // (SC_NW * GCHUNK)
    mesh = plsc.VectorSubcoreMesh(core_axis_name="c", subcore_axis_name="s")
    f = pl.kernel(
        functools.partial(_sc_gather_body, nt, iters),
        out_type=[jax.ShapeDtypeStruct((n, d), jnp.float32)] * nt,
        mesh=mesh,
        scratch_types=(
            [pltpu.VMEM((GCHUNK,), jnp.int32)] * 2
            + [pltpu.VMEM((GCHUNK, d), jnp.float32)] * (2 * nt)
            + [pltpu.SemaphoreType.DMA] * (4 * nt)
        ),
    )
    return f(idx_flat, *tables)


def _attn_body(cq, pq, cv, pv, ct, pt, qtc, bias, so_ref, lse_ref, *, dim):
    scale = dim ** -0.5
    nq = CPG * BUCKET
    q = cq[0]
    kraw = jnp.concatenate([pq[0], q], axis=0)
    norm = jnp.sum(kraw * kraw, axis=-1, keepdims=True)
    kn = kraw * (scale / jnp.maximum(jnp.sqrt(norm), 1e-12))
    vall = jnp.concatenate([pv[0], cv[0]], axis=0)
    dots = jax.lax.dot_general(
        q, kn, (((1,), (1,)), ((), ()))) + bias[...]
    qt = qtc[0]
    kt01 = jnp.concatenate([pt[0, 0, :, :], ct[0, 0:1, 0, :]],
                           axis=1)
    left = jnp.where(qt == kt01, -1e9, dots[:, :2 * BUCKET])
    dots = jnp.concatenate([left, dots[:, 2 * BUCKET:]], axis=1)
    ex = jnp.exp(dots)
    s = jnp.sum(ex, axis=-1, keepdims=True)
    bo = jax.lax.dot_general(ex, vall, (((1,), (0,)), ((), ())))
    so_ref[0] = bo / s
    lse_ref[0] = jnp.log(s)


def _band_bias():
    import numpy as np
    nq = CPG * BUCKET
    r = np.arange(nq)[:, None]
    c = np.arange(nq + BUCKET)[None, :]
    band = (c // BUCKET == r // BUCKET) | (c // BUCKET == r // BUCKET + 1)
    diag = c == r + BUCKET
    return jnp.asarray(
        np.where(band & ~diag, 0.0, -1e9).astype(np.float32))


def _attention(sqk, sv, st, n_chunks):
    b, n, d = sqk.shape
    nj = n_chunks // CPG
    st4 = st.reshape(b, n_chunks, 1, BUCKET)

    def im_cur(bi, j):
        return (bi, j, 0)

    def im_prev(bi, j):
        return (bi, (j * CPG + n_chunks - 1) % n_chunks, 0)

    def im_cur4(bi, j):
        return (bi, j, 0, 0)

    def im_prev4(bi, j):
        return (bi, (j * CPG + n_chunks - 1) % n_chunks, 0, 0)

    so, lse = pl.pallas_call(
        functools.partial(_attn_body, dim=d),
        grid=(b, nj),
        in_specs=[
            pl.BlockSpec((1, CPG * BUCKET, d), im_cur),
            pl.BlockSpec((1, BUCKET, d), im_prev),
            pl.BlockSpec((1, CPG * BUCKET, d), im_cur),
            pl.BlockSpec((1, BUCKET, d), im_prev),
            pl.BlockSpec((1, CPG, 1, BUCKET), im_cur4),
            pl.BlockSpec((1, 1, 1, BUCKET), im_prev4),
            pl.BlockSpec((1, CPG * BUCKET, 1), im_cur),
            pl.BlockSpec((CPG * BUCKET, (CPG + 1) * BUCKET),
                         lambda bi, j: (0, 0)),
        ],
        out_specs=[
            pl.BlockSpec((1, CPG * BUCKET, d), im_cur),
            pl.BlockSpec((1, CPG * BUCKET, 1), im_cur),
        ],
        out_shape=[
            jax.ShapeDtypeStruct((b, n, d), jnp.float32),
            jax.ShapeDtypeStruct((b, n, 1), jnp.float32),
        ],
    )(sqk, sqk, sv, sv, st4, st4, st.reshape(b, n, 1), _band_bias())
    return so, lse[..., 0]


def kernel(qk, v, rot):
    b, t, d = qk.shape
    n_buckets = t // BUCKET
    rr = jnp.broadcast_to(rot, (b,) + rot.shape[1:])
    rotated = jnp.einsum('btf,bfhi->bhti', qk, rr)
    rotated = jnp.concatenate([rotated, -rotated], axis=-1)
    buckets = jnp.argmax(rotated, axis=-1)
    offsets = (jnp.arange(N_HASHES) * n_buckets).reshape(1, -1, 1)
    buckets = (buckets + offsets).reshape(b, -1)
    ticker = jnp.broadcast_to(jnp.arange(N_HASHES * t)[None, :], buckets.shape)
    buckets_and_t = t * buckets + ticker % t
    sticker = jnp.argsort(buckets_and_t, axis=-1)
    undo = jnp.argsort(sticker, axis=-1)
    st = (sticker % t).astype(jnp.int32)
    gidx = (st + (jnp.arange(b, dtype=jnp.int32) * t)[:, None]).reshape(-1)
    sqk_f, sv_f = _sc_gather_rows(gidx, qk.reshape(b * t, d), v.reshape(b * t, d))
    sqk = sqk_f.reshape(b, N_HASHES * t, d)
    sv = sv_f.reshape(b, N_HASHES * t, d)
    n_chunks = N_HASHES * n_buckets
    so, slse = _attention(sqk, sv, st, n_chunks)
    n = N_HASHES * t
    uidx = (undo.astype(jnp.int32)
            + (jnp.arange(b, dtype=jnp.int32) * n)[:, None]).reshape(-1)
    (o_f,) = _sc_gather_rows(uidx, so.reshape(b * n, d))
    o = o_f.reshape(b, n, d)
    logits = jnp.take_along_axis(slse, undo, axis=1)
    o = o.reshape(b, N_HASHES, t, d)
    logits = logits.reshape(b, N_HASHES, t, 1)
    probs = jnp.exp(
        logits - jax.scipy.special.logsumexp(logits, axis=1, keepdims=True))
    return jnp.sum(o * probs, axis=1)

# --- scband reference (transcript-rebuilt; emitter-appended) ---
"""Pipeline reference for scband-lshattention-30872224923770 (READ-ONLY COPY).

The authoritative reference and input builder live on the scoring server;
editing this copy changes nothing except your own understanding.
"""

import jax, jax.numpy as jnp
import numpy as np

BUCKET_SIZE = 64
N_HASHES = 8
TOKEN_SELF_ATTN_VALUE = -5e4


def batched_index_select(values, indices):
    # values: (b, n, d); indices: (b, m) -> (b, m, d)
    return jnp.take_along_axis(values, indices[..., None], axis=1)


def hash_vectors(n_buckets, vecs, rot):
    # vecs: (b, t, f); rot: (1, f, n_hashes, n_buckets//2)
    batch_size = vecs.shape[0]
    random_rotations = jnp.broadcast_to(rot, (batch_size,) + rot.shape[1:])
    rotated_vecs = jnp.einsum('btf,bfhi->bhti', vecs, random_rotations)
    rotated_vecs = jnp.concatenate([rotated_vecs, -rotated_vecs], axis=-1)
    buckets = jnp.argmax(rotated_vecs, axis=-1)  # (b, n_hashes, t)
    offsets = (jnp.arange(N_HASHES) * n_buckets).reshape(1, -1, 1)
    buckets = (buckets + offsets).reshape(batch_size, -1)  # (b, n_hashes*t)
    return buckets


def lsh_attention(qk, v, rot):
    batch_size, seqlen, dim = qk.shape
    n_buckets = seqlen // BUCKET_SIZE
    total_hashes = N_HASHES
    buckets = hash_vectors(n_buckets, qk, rot)
    ticker = jnp.broadcast_to(jnp.arange(total_hashes * seqlen)[None, :], buckets.shape)
    buckets_and_t = seqlen * buckets + ticker % seqlen
    buckets_and_t = jax.lax.stop_gradient(buckets_and_t)
    # sort_key_val(buckets_and_t, ticker)
    sticker = jnp.argsort(buckets_and_t, axis=-1)
    undo_sort = jnp.argsort(sticker, axis=-1)
    st = sticker % seqlen
    sqk = batched_index_select(qk, st)
    sv = batched_index_select(v, st)
    chunk_size = total_hashes * n_buckets
    bq_t = st.reshape(batch_size, chunk_size, -1)
    bkv_t = bq_t
    bqk = sqk.reshape(batch_size, chunk_size, -1, dim)
    bv = sv.reshape(batch_size, chunk_size, -1, dim)
    bq = bqk
    # F.normalize(bqk, p=2, dim=-1)
    norm = jnp.sqrt(jnp.sum(bqk * bqk, axis=-1, keepdims=True))
    bk = bqk / jnp.maximum(norm, 1e-12)

    def look_one_back(x):
        x_extra = jnp.concatenate([x[:, -1:, ...], x[:, :-1, ...]], axis=1)
        return jnp.concatenate([x, x_extra], axis=2)

    bk = look_one_back(bk)
    bv = look_one_back(bv)
    bkv_t = look_one_back(bkv_t)
    dots = jnp.einsum('bhie,bhje->bhij', bq, bk) * (dim ** (-0.5))
    # self-attention masking (token attends to itself only as last resort)
    self_mask = bq_t[:, :, :, None] == bkv_t[:, :, None, :]
    dots = jnp.where(self_mask, TOKEN_SELF_ATTN_VALUE, dots)
    # softmax over concatenated bucket chunks
    dots_logsumexp = jax.scipy.special.logsumexp(dots, axis=-1, keepdims=True)
    dots = jnp.exp(dots - dots_logsumexp)
    bo = jnp.einsum('buij,buje->buie', dots, bv)
    so = bo.reshape(batch_size, -1, dim)
    slogits = dots_logsumexp.reshape(batch_size, -1)
    # unsort
    o = batched_index_select(so, undo_sort)
    logits = jnp.take_along_axis(slogits, undo_sort, axis=1)
    o = o.reshape(batch_size, total_hashes, seqlen, dim)
    logits = logits.reshape(batch_size, total_hashes, seqlen, 1)
    # combine rounds of hashing weighted by their logsumexp
    probs = jnp.exp(logits - jax.scipy.special.logsumexp(logits, axis=1, keepdims=True))
    out = jnp.sum(o * probs, axis=1)
    return out


def setup_inputs(seed: int = 0):
    key = jax.random.key(seed)
    k1, k2, k3 = jax.random.split(key, 3)
    qk = jax.random.normal(k1, (16, 4096, 128), dtype=jnp.float32)
    v = jax.random.normal(k2, (16, 4096, 128), dtype=jnp.float32)
    n_buckets = 4096 // BUCKET_SIZE
    rot = jax.random.normal(k3, (1, 128, N_HASHES, n_buckets // 2), dtype=jnp.float32)
    return {"qk": qk, "v": v, "rot": rot}


def reference(qk, v, rot):
    return lsh_attention(qk, v, rot)

if __name__ == "__main__":
    import jax
    _d = setup_inputs()
    print(jax.jit(kernel)(*tuple(_d.values())))

</pallas_src>

<mosaic_0001>
#map = affine_map<(d0, d1) -> (0)>
#map1 = affine_map<(d0, d1) -> (0, 0)>
module attributes {stable_mosaic.version = 14 : i64} {
  func.func @_sc_gather_body(%arg0: i32, %arg1: i32, %arg2: memref<524288xi32, #tpu.memory_space<hbm>>, %arg3: memref<524288x128xf32, #tpu.memory_space<hbm>>, %arg4: memref<524288x128xf32, #tpu.memory_space<hbm>>, %arg5: memref<128xi32, #tpu.memory_space<vmem>>, %arg6: memref<128xi32, #tpu.memory_space<vmem>>, %arg7: memref<128x128xf32, #tpu.memory_space<vmem>>, %arg8: memref<128x128xf32, #tpu.memory_space<vmem>>, %arg9: memref<!tpu.dma_semaphore, #tpu.memory_space<semaphore_mem>>, %arg10: memref<!tpu.dma_semaphore, #tpu.memory_space<semaphore_mem>>, %arg11: memref<!tpu.dma_semaphore, #tpu.memory_space<semaphore_mem>>, %arg12: memref<!tpu.dma_semaphore, #tpu.memory_space<semaphore_mem>>) attributes {dimension_semantics = [#tpu.dimension_semantics<core_parallel>, #tpu.dimension_semantics<subcore_parallel>], iteration_bounds = array<i64: 2, 16>, scalar_prefetch = 0 : i64, scratch_operands = 8 : i64, tpu.core_type = #tpu.core_type<sc_vector_subcore>, window_params = [{transform_indices = #map}, {transform_indices = #map1}, {transform_indices = #map1}]} {
    %mul3A = arith.constant 2 : i32
    %mul3A_0 = arith.muli %arg1, %mul3A : i32
    %add3A = arith.addi %mul3A_0, %arg0 : i32
    %mul3A_1 = arith.constant 16384 : i32
    %mul3A_2 = arith.muli %add3A, %mul3A_1 : i32
    %add3A_3 = arith.constant 0 : i32
    %add3A_4 = arith.addi %mul3A_2, %add3A_3 : i32
    %multiple_of3A = tpu.assume_multiple %add3A_4, 128 : i32
    "tpu.region"() ({
      %run_scoped3A = tpu.sem_alloc : memref<!tpu.dma_semaphore, #tpu.memory_space<semaphore_mem>>
      %dma_start3A_50 = tpu.memref_slice %arg2[%multiple_of3A] : memref<524288xi32, #tpu.memory_space<hbm>> -> memref<128xi32, #tpu.memory_space<hbm>>
      %dma_start3A_51 = tpu.memref_slice %arg2[%multiple_of3A] : memref<524288xi32, #tpu.memory_space<hbm>> -> memref<128xi32, #tpu.memory_space<hbm>>
      tpu.enqueue_dma source(%dma_start3A_51 : memref<128xi32, #tpu.memory_space<hbm>>) target(%arg5 : memref<128xi32, #tpu.memory_space<vmem>>) target_semaphore(%run_scoped3A : memref<!tpu.dma_semaphore, #tpu.memory_space<semaphore_mem>>)
      %dma_wait3A_52 = tpu.memref_slice %arg2[%multiple_of3A] : memref<524288xi32, #tpu.memory_space<hbm>> -> memref<128xi32, #tpu.memory_space<hbm>>
      %dma_wait3A_53 = tpu.memref_slice %arg2[%multiple_of3A] : memref<524288xi32, #tpu.memory_space<hbm>> -> memref<128xi32, #tpu.memory_space<hbm>>
      tpu.wait_dma2 semaphore(%run_scoped3A : memref<!tpu.dma_semaphore, #tpu.memory_space<semaphore_mem>>) src(%dma_wait3A_53 : memref<128xi32, #tpu.memory_space<hbm>>) dst(%arg5 : memref<128xi32, #tpu.memory_space<vmem>>)
      tpu.yield
    }) : () -> ()
    %dma_start3A = arith.constant 0 : i32
    %dma_start3A_5 = arith.constant 0 : i32
    %dma_start3A_6 = tpu.memref_slice %arg3[%dma_start3A, %dma_start3A_5] : memref<524288x128xf32, #tpu.memory_space<hbm>> -> memref<524288x128xf32, #tpu.memory_space<hbm>>
    tpu.enqueue_indirect_dma source(%dma_start3A_6 : memref<524288x128xf32, #tpu.memory_space<hbm>>) target(%arg7 : memref<128x128xf32, #tpu.memory_space<vmem>>) offsets(%arg5 : memref<128xi32, #tpu.memory_space<vmem>>) semaphore(%arg9 : memref<!tpu.dma_semaphore, #tpu.memory_space<semaphore_mem>>)
    %add3A_7 = arith.constant 128 : i32
    %add3A_8 = arith.addi %mul3A_2, %add3A_7 : i32
    %multiple_of3A_9 = tpu.assume_multiple %add3A_8, 128 : i32
    "tpu.region"() ({
      %run_scoped3A = tpu.sem_alloc : memref<!tpu.dma_semaphore, #tpu.memory_space<semaphore_mem>>
      %dma_start3A_50 = tpu.memref_slice %arg2[%multiple_of3A_9] : memref<524288xi32, #tpu.memory_space<hbm>> -> memref<128xi32, #tpu.memory_space<hbm>>
      %dma_start3A_51 = tpu.memref_slice %arg2[%multiple_of3A_9] : memref<524288xi32, #tpu.memory_space<hbm>> -> memref<128xi32, #tpu.memory_space<hbm>>
      tpu.enqueue_dma source(%dma_start3A_51 : memref<128xi32, #tpu.memory_space<hbm>>) target(%arg6 : memref<128xi32, #tpu.memory_space<vmem>>) target_semaphore(%run_scoped3A : memref<!tpu.dma_semaphore, #tpu.memory_space<semaphore_mem>>)
      %dma_wait3A_52 = tpu.memref_slice %arg2[%multiple_of3A_9] : memref<524288xi32, #tpu.memory_space<hbm>> -> memref<128xi32, #tpu.memory_space<hbm>>
      %dma_wait3A_53 = tpu.memref_slice %arg2[%multiple_of3A_9] : memref<524288xi32, #tpu.memory_space<hbm>> -> memref<128xi32, #tpu.memory_space<hbm>>
      tpu.wait_dma2 semaphore(%run_scoped3A : memref<!tpu.dma_semaphore, #tpu.memory_space<semaphore_mem>>) src(%dma_wait3A_53 : memref<128xi32, #tpu.memory_space<hbm>>) dst(%arg6 : memref<128xi32, #tpu.memory_space<vmem>>)
      tpu.yield
    }) : () -> ()
    %dma_start3A_10 = arith.constant 0 : i32
    %dma_start3A_11 = arith.constant 0 : i32
    %dma_start3A_12 = tpu.memref_slice %arg3[%dma_start3A_10, %dma_start3A_11] : memref<524288x128xf32, #tpu.memory_space<hbm>> -> memref<524288x128xf32, #tpu.memory_space<hbm>>
    tpu.enqueue_indirect_dma source(%dma_start3A_12 : memref<524288x128xf32, #tpu.memory_space<hbm>>) target(%arg8 : memref<128x128xf32, #tpu.memory_space<vmem>>) offsets(%arg6 : memref<128xi32, #tpu.memory_space<vmem>>) semaphore(%arg10 : memref<!tpu.dma_semaphore, #tpu.memory_space<semaphore_mem>>)
    %scan3A = arith.constant 0 : i32
    %scan3A_13 = arith.constant 63 : i32
    %scan3A_14 = arith.addi %scan3A, %scan3A_13 : i32
    %scan3A_15 = arith.constant 1 : i32
    scf.for %scan3A_50 = %scan3A to %scan3A_14 step %scan3A_15  : i32 {
      %mul3A_51 = arith.constant 2 : i32
      %mul3A_52 = arith.muli %scan3A_50, %mul3A_51 : i32
      %dma_wait3A_53 = arith.constant 0 : i32
      %dma_wait3A_54 = arith.constant 0 : i32
      %dma_wait3A_55 = tpu.memref_slice %arg3[%dma_wait3A_53, %dma_wait3A_54] : memref<524288x128xf32, #tpu.memory_space<hbm>> -> memref<524288x128xf32, #tpu.memory_space<hbm>>
      tpu.wait_indirect_dma semaphore(%arg9 : memref<!tpu.dma_semaphore, #tpu.memory_space<semaphore_mem>>) src(%dma_wait3A_55 : memref<524288x128xf32, #tpu.memory_space<hbm>>) dst(%arg7 : memref<128x128xf32, #tpu.memory_space<vmem>>)
      %add3A_56 = arith.constant 0 : i32
      %add3A_57 = arith.addi %mul3A_52, %add3A_56 : i32
      %mul3A_58 = arith.constant 128 : i32
      %mul3A_59 = arith.muli %add3A_57, %mul3A_58 : i32
      %add3A_60 = arith.addi %mul3A_2, %mul3A_59 : i32
      %multiple_of3A_61 = tpu.assume_multiple %add3A_60, 128 : i32
      %dma_start3A_62 = arith.constant 0 : i32
      %dma_start3A_63 = tpu.memref_slice %arg4[%multiple_of3A_61, %dma_start3A_62] : memref<524288x128xf32, #tpu.memory_space<hbm>> -> memref<128x128xf32, #tpu.memory_space<hbm>>
      %dma_start3A_64 = arith.constant 0 : i32
      %dma_start3A_65 = tpu.memref_slice %arg4[%multiple_of3A_61, %dma_start3A_64] : memref<524288x128xf32, #tpu.memory_space<hbm>> -> memref<128x128xf32, #tpu.memory_space<hbm>>
      tpu.enqueue_dma source(%arg7 : memref<128x128xf32, #tpu.memory_space<vmem>>) target(%dma_start3A_65 : memref<128x128xf32, #tpu.memory_space<hbm>>) target_semaphore(%arg11 : memref<!tpu.dma_semaphore, #tpu.memory_space<semaphore_mem>>)
      %dma_wait3A_66 = arith.constant 0 : i32
      %dma_wait3A_67 = arith.constant 0 : i32
      %dma_wait3A_68 = tpu.memref_slice %arg3[%dma_wait3A_66, %dma_wait3A_67] : memref<524288x128xf32, #tpu.memory_space<hbm>> -> memref<524288x128xf32, #tpu.memory_space<hbm>>
      tpu.wait_indirect_dma semaphore(%arg10 : memref<!tpu.dma_semaphore, #tpu.memory_space<semaphore_mem>>) src(%dma_wait3A_68 : memref<524288x128xf32, #tpu.memory_space<hbm>>) dst(%arg8 : memref<128x128xf32, #tpu.memory_space<vmem>>)
      %add3A_69 = arith.constant 1 : i32
      %add3A_70 = arith.addi %mul3A_52, %add3A_69 : i32
      %mul3A_71 = arith.constant 128 : i32
      %mul3A_72 = arith.muli %add3A_70, %mul3A_71 : i32
      %add3A_73 = arith.addi %mul3A_2, %mul3A_72 : i32
      %multiple_of3A_74 = tpu.assume_multiple %add3A_73, 128 : i32
      %dma_start3A_75 = arith.constant 0 : i32
      %dma_start3A_76 = tpu.memref_slice %arg4[%multiple_of3A_74, %dma_start3A_75] : memref<524288x128xf32, #tpu.memory_space<hbm>> -> memref<128x128xf32, #tpu.memory_space<hbm>>
      %dma_start3A_77 = arith.constant 0 : i32
      %dma_start3A_78 = tpu.memref_slice %arg4[%multiple_of3A_74, %dma_start3A_77] : memref<524288x128xf32, #tpu.memory_space<hbm>> -> memref<128x128xf32, #tpu.memory_space<hbm>>
      tpu.enqueue_dma source(%arg8 : memref<128x128xf32, #tpu.memory_space<vmem>>) target(%dma_start3A_78 : memref<128x128xf32, #tpu.memory_space<hbm>>) target_semaphore(%arg12 : memref<!tpu.dma_semaphore, #tpu.memory_space<semaphore_mem>>)
      %add3A_79 = arith.constant 0 : i32
      %add3A_80 = arith.addi %mul3A_52, %add3A_79 : i32
      %mul3A_81 = arith.constant 128 : i32
      %mul3A_82 = arith.muli %add3A_80, %mul3A_81 : i32
      %add3A_83 = arith.addi %mul3A_2, %mul3A_82 : i32
      %multiple_of3A_84 = tpu.assume_multiple %add3A_83, 128 : i32
      %dma_wait3A_85 = arith.constant 0 : i32
      %dma_wait3A_86 = tpu.memref_slice %arg4[%multiple_of3A_84, %dma_wait3A_85] : memref<524288x128xf32, #tpu.memory_space<hbm>> -> memref<128x128xf32, #tpu.memory_space<hbm>>
      %dma_wait3A_87 = arith.constant 0 : i32
      %dma_wait3A_88 = tpu.memref_slice %arg4[%multiple_of3A_84, %dma_wait3A_87] : memref<524288x128xf32, #tpu.memory_space<hbm>> -> memref<128x128xf32, #tpu.memory_space<hbm>>
      tpu.wait_dma2 semaphore(%arg11 : memref<!tpu.dma_semaphore, #tpu.memory_space<semaphore_mem>>) src(%arg7 : memref<128x128xf32, #tpu.memory_space<vmem>>) dst(%dma_wait3A_88 : memref<128x128xf32, #tpu.memory_space<hbm>>)
      %add3A_89 = arith.constant 2 : i32
      %add3A_90 = arith.addi %mul3A_52, %add3A_89 : i32
      %add3A_91 = arith.constant 0 : i32
      %add3A_92 = arith.addi %add3A_90, %add3A_91 : i32
      %mul3A_93 = arith.constant 128 : i32
      %mul3A_94 = arith.muli %add3A_92, %mul3A_93 : i32
      %add3A_95 = arith.addi %mul3A_2, %mul3A_94 : i32
      %multiple_of3A_96 = tpu.assume_multiple %add3A_95, 128 : i32
      "tpu.region"() ({
        %run_scoped3A = tpu.sem_alloc : memref<!tpu.dma_semaphore, #tpu.memory_space<semaphore_mem>>
        %dma_start3A_121 = tpu.memref_slice %arg2[%multiple_of3A_96] : memref<524288xi32, #tpu.memory_space<hbm>> -> memref<128xi32, #tpu.memory_space<hbm>>
        %dma_start3A_122 = tpu.memref_slice %arg2[%multiple_of3A_96] : memref<524288xi32, #tpu.memory_space<hbm>> -> memref<128xi32, #tpu.memory_space<hbm>>
        tpu.enqueue_dma source(%dma_start3A_122 : memref<128xi32, #tpu.memory_space<hbm>>) target(%arg5 : memref<128xi32, #tpu.memory_space<vmem>>) target_semaphore(%run_scoped3A : memref<!tpu.dma_semaphore, #tpu.memory_space<semaphore_mem>>)
        %dma_wait3A_123 = tpu.memref_slice %arg2[%multiple_of3A_96] : memref<524288xi32, #tpu.memory_space<hbm>> -> memref<128xi32, #tpu.memory_space<hbm>>
        %dma_wait3A_124 = tpu.memref_slice %arg2[%multiple_of3A_96] : memref<524288xi32, #tpu.memory_space<hbm>> -> memref<128xi32, #tpu.memory_space<hbm>>
        tpu.wait_dma2 semaphore(%run_scoped3A : memref<!tpu.dma_semaphore, #tpu.memory_space<semaphore_mem>>) src(%dma_wait3A_124 : memref<128xi32, #tpu.memory_space<hbm>>) dst(%arg5 : memref<128xi32, #tpu.memory_space<vmem>>)
        tpu.yield
      }) : () -> ()
      %dma_start3A_97 = arith.constant 0 : i32
      %dma_start3A_98 = arith.constant 0 : i32
      %dma_start3A_99 = tpu.memref_slice %arg3[%dma_start3A_97, %dma_start3A_98] : memref<524288x128xf32, #tpu.memory_space<hbm>> -> memref<524288x128xf32, #tpu.memory_space<hbm>>
      tpu.enqueue_indirect_dma source(%dma_start3A_99 : memref<524288x128xf32, #tpu.memory_space<hbm>>) target(%arg7 : memref<128x128xf32, #tpu.memory_space<vmem>>) offsets(%arg5 : memref<128xi32, #tpu.memory_space<vmem>>) semaphore(%arg9 : memref<!tpu.dma_semaphore, #tpu.memory_space<semaphore_mem>>)
      %add3A_100 = arith.constant 1 : i32
      %add3A_101 = arith.addi %mul3A_52, %add3A_100 : i32
      %mul3A_102 = arith.constant 128 : i32
      %mul3A_103 = arith.muli %add3A_101, %mul3A_102 : i32
      %add3A_104 = arith.addi %mul3A_2, %mul3A_103 : i32
      %multiple_of3A_105 = tpu.assume_multiple %add3A_104, 128 : i32
      %dma_wait3A_106 = arith.constant 0 : i32
      %dma_wait3A_107 = tpu.memref_slice %arg4[%multiple_of3A_105, %dma_wait3A_106] : memref<524288x128xf32, #tpu.memory_space<hbm>> -> memref<128x128xf32, #tpu.memory_space<hbm>>
      %dma_wait3A_108 = arith.constant 0 : i32
      %dma_wait3A_109 = tpu.memref_slice %arg4[%multiple_of3A_105, %dma_wait3A_108] : memref<524288x128xf32, #tpu.memory_space<hbm>> -> memref<128x128xf32, #tpu.memory_space<hbm>>
      tpu.wait_dma2 semaphore(%arg12 : memref<!tpu.dma_semaphore, #tpu.memory_space<semaphore_mem>>) src(%arg8 : memref<128x128xf32, #tpu.memory_space<vmem>>) dst(%dma_wait3A_109 : memref<128x128xf32, #tpu.memory_space<hbm>>)
      %add3A_110 = arith.constant 2 : i32
      %add3A_111 = arith.addi %mul3A_52, %add3A_110 : i32
      %add3A_112 = arith.constant 1 : i32
      %add3A_113 = arith.addi %add3A_111, %add3A_112 : i32
      %mul3A_114 = arith.constant 128 : i32
      %mul3A_115 = arith.muli %add3A_113, %mul3A_114 : i32
      %add3A_116 = arith.addi %mul3A_2, %mul3A_115 : i32
      %multiple_of3A_117 = tpu.assume_multiple %add3A_116, 128 : i32
      "tpu.region"() ({
        %run_scoped3A = tpu.sem_alloc : memref<!tpu.dma_semaphore, #tpu.memory_space<semaphore_mem>>
        %dma_start3A_121 = tpu.memref_slice %arg2[%multiple_of3A_117] : memref<524288xi32, #tpu.memory_space<hbm>> -> memref<128xi32, #tpu.memory_space<hbm>>
        %dma_start3A_122 = tpu.memref_slice %arg2[%multiple_of3A_117] : memref<524288xi32, #tpu.memory_space<hbm>> -> memref<128xi32, #tpu.memory_space<hbm>>
        tpu.enqueue_dma source(%dma_start3A_122 : memref<128xi32, #tpu.memory_space<hbm>>) target(%arg6 : memref<128xi32, #tpu.memory_space<vmem>>) target_semaphore(%run_scoped3A : memref<!tpu.dma_semaphore, #tpu.memory_space<semaphore_mem>>)
        %dma_wait3A_123 = tpu.memref_slice %arg2[%multiple_of3A_117] : memref<524288xi32, #tpu.memory_space<hbm>> -> memref<128xi32, #tpu.memory_space<hbm>>
        %dma_wait3A_124 = tpu.memref_slice %arg2[%multiple_of3A_117] : memref<524288xi32, #tpu.memory_space<hbm>> -> memref<128xi32, #tpu.memory_space<hbm>>
        tpu.wait_dma2 semaphore(%run_scoped3A : memref<!tpu.dma_semaphore, #tpu.memory_space<semaphore_mem>>) src(%dma_wait3A_124 : memref<128xi32, #tpu.memory_space<hbm>>) dst(%arg6 : memref<128xi32, #tpu.memory_space<vmem>>)
        tpu.yield
      }) : () -> ()
      %dma_start3A_118 = arith.constant 0 : i32
      %dma_start3A_119 = arith.constant 0 : i32
      %dma_start3A_120 = tpu.memref_slice %arg3[%dma_start3A_118, %dma_start3A_119] : memref<524288x128xf32, #tpu.memory_space<hbm>> -> memref<524288x128xf32, #tpu.memory_space<hbm>>
      tpu.enqueue_indirect_dma source(%dma_start3A_120 : memref<524288x128xf32, #tpu.memory_space<hbm>>) target(%arg8 : memref<128x128xf32, #tpu.memory_space<vmem>>) offsets(%arg6 : memref<128xi32, #tpu.memory_space<vmem>>) semaphore(%arg10 : memref<!tpu.dma_semaphore, #tpu.memory_space<semaphore_mem>>)
    }
    %scan3A_16 = arith.constant 63 : i32
    %dma_wait3A = arith.constant 0 : i32
    %dma_wait3A_17 = arith.constant 0 : i32
    %dma_wait3A_18 = tpu.memref_slice %arg3[%dma_wait3A, %dma_wait3A_17] : memref<524288x128xf32, #tpu.memory_space<hbm>> -> memref<524288x128xf32, #tpu.memory_space<hbm>>
    tpu.wait_indirect_dma semaphore(%arg9 : memref<!tpu.dma_semaphore, #tpu.memory_space<semaphore_mem>>) src(%dma_wait3A_18 : memref<524288x128xf32, #tpu.memory_space<hbm>>) dst(%arg7 : memref<128x128xf32, #tpu.memory_space<vmem>>)
    %add3A_19 = arith.constant 16128 : i32
    %add3A_20 = arith.addi %mul3A_2, %add3A_19 : i32
    %multiple_of3A_21 = tpu.assume_multiple %add3A_20, 128 : i32
    %dma_start3A_22 = arith.constant 0 : i32
    %dma_start3A_23 = tpu.memref_slice %arg4[%multiple_of3A_21, %dma_start3A_22] : memref<524288x128xf32, #tpu.memory_space<hbm>> -> memref<128x128xf32, #tpu.memory_space<hbm>>
    %dma_start3A_24 = arith.constant 0 : i32
    %dma_start3A_25 = tpu.memref_slice %arg4[%multiple_of3A_21, %dma_start3A_24] : memref<524288x128xf32, #tpu.memory_space<hbm>> -> memref<128x128xf32, #tpu.memory_space<hbm>>
    tpu.enqueue_dma source(%arg7 : memref<128x128xf32, #tpu.memory_space<vmem>>) target(%dma_start3A_25 : memref<128x128xf32, #tpu.memory_space<hbm>>) target_semaphore(%arg11 : memref<!tpu.dma_semaphore, #tpu.memory_space<semaphore_mem>>)
    %dma_wait3A_26 = arith.constant 0 : i32
    %dma_wait3A_27 = arith.constant 0 : i32
    %dma_wait3A_28 = tpu.memref_slice %arg3[%dma_wait3A_26, %dma_wait3A_27] : memref<524288x128xf32, #tpu.memory_space<hbm>> -> memref<524288x128xf32, #tpu.memory_space<hbm>>
    tpu.wait_indirect_dma semaphore(%arg10 : memref<!tpu.dma_semaphore, #tpu.memory_space<semaphore_mem>>) src(%dma_wait3A_28 : memref<524288x128xf32, #tpu.memory_space<hbm>>) dst(%arg8 : memref<128x128xf32, #tpu.memory_space<vmem>>)
    %add3A_29 = arith.constant 16256 : i32
    %add3A_30 = arith.addi %mul3A_2, %add3A_29 : i32
    %multiple_of3A_31 = tpu.assume_multiple %add3A_30, 128 : i32
    %dma_start3A_32 = arith.constant 0 : i32
    %dma_start3A_33 = tpu.memref_slice %arg4[%multiple_of3A_31, %dma_start3A_32] : memref<524288x128xf32, #tpu.memory_space<hbm>> -> memref<128x128xf32, #tpu.memory_space<hbm>>
    %dma_start3A_34 = arith.constant 0 : i32
    %dma_start3A_35 = tpu.memref_slice %arg4[%multiple_of3A_31, %dma_start3A_34] : memref<524288x128xf32, #tpu.memory_space<hbm>> -> memref<128x128xf32, #tpu.memory_space<hbm>>
    tpu.enqueue_dma source(%arg8 : memref<128x128xf32, #tpu.memory_space<vmem>>) target(%dma_start3A_35 : memref<128x128xf32, #tpu.memory_space<hbm>>) target_semaphore(%arg12 : memref<!tpu.dma_semaphore, #tpu.memory_space<semaphore_mem>>)
    %add3A_36 = arith.constant 16128 : i32
    %add3A_37 = arith.addi %mul3A_2, %add3A_36 : i32
    %multiple_of3A_38 = tpu.assume_multiple %add3A_37, 128 : i32
    %dma_wait3A_39 = arith.constant 0 : i32
    %dma_wait3A_40 = tpu.memref_slice %arg4[%multiple_of3A_38, %dma_wait3A_39] : memref<524288x128xf32, #tpu.memory_space<hbm>> -> memref<128x128xf32, #tpu.memory_space<hbm>>
    %dma_wait3A_41 = arith.constant 0 : i32
    %dma_wait3A_42 = tpu.memref_slice %arg4[%multiple_of3A_38, %dma_wait3A_41] : memref<524288x128xf32, #tpu.memory_space<hbm>> -> memref<128x128xf32, #tpu.memory_space<hbm>>
    tpu.wait_dma2 semaphore(%arg11 : memref<!tpu.dma_semaphore, #tpu.memory_space<semaphore_mem>>) src(%arg7 : memref<128x128xf32, #tpu.memory_space<vmem>>) dst(%dma_wait3A_42 : memref<128x128xf32, #tpu.memory_space<hbm>>)
    %add3A_43 = arith.constant 16256 : i32
    %add3A_44 = arith.addi %mul3A_2, %add3A_43 : i32
    %multiple_of3A_45 = tpu.assume_multiple %add3A_44, 128 : i32
    %dma_wait3A_46 = arith.constant 0 : i32
    %dma_wait3A_47 = tpu.memref_slice %arg4[%multiple_of3A_45, %dma_wait3A_46] : memref<524288x128xf32, #tpu.memory_space<hbm>> -> memref<128x128xf32, #tpu.memory_space<hbm>>
    %dma_wait3A_48 = arith.constant 0 : i32
    %dma_wait3A_49 = tpu.memref_slice %arg4[%multiple_of3A_45, %dma_wait3A_48] : memref<524288x128xf32, #tpu.memory_space<hbm>> -> memref<128x128xf32, #tpu.memory_space<hbm>>
    tpu.wait_dma2 semaphore(%arg12 : memref<!tpu.dma_semaphore, #tpu.memory_space<semaphore_mem>>) src(%arg8 : memref<128x128xf32, #tpu.memory_space<vmem>>) dst(%dma_wait3A_49 : memref<128x128xf32, #tpu.memory_space<hbm>>)
    return
  }
}

#map = affine_map<(d0, d1) -> (0)>
#map1 = affine_map<(d0, d1) -> (0, 0)>
module attributes {stable_mosaic.version = 14 : i64} {
  func.func @_sc_gather_body(%arg0: i32, %arg1: i32, %arg2: memref<524288xi32, #tpu.memory_space<hbm>>, %arg3: memref<65536x128xf32, #tpu.memory_space<hbm>>, %arg4: memref<65536x128xf32, #tpu.memory_space<hbm>>, %arg5: memref<524288x128xf32, #tpu.memory_space<hbm>>, %arg6: memref<524288x128xf32, #tpu.memory_space<hbm>>, %arg7: memref<128xi32, #tpu.memory_space<vmem>>, %arg8: memref<128xi32, #tpu.memory_space<vmem>>, %arg9: memref<128x128xf32, #tpu.memory_space<vmem>>, %arg10: memref<128x128xf32, #tpu.memory_space<vmem>>, %arg11: memref<128x128xf32, #tpu.memory_space<vmem>>, %arg12: memref<128x128xf32, #tpu.memory_space<vmem>>, %arg13: memref<!tpu.dma_semaphore, #tpu.memory_space<semaphore_mem>>, %arg14: memref<!tpu.dma_semaphore, #tpu.memory_space<semaphore_mem>>, %arg15: memref<!tpu.dma_semaphore, #tpu.memory_space<semaphore_mem>>, %arg16: memref<!tpu.dma_semaphore, #tpu.memory_space<semaphore_mem>>, %arg17: memref<!tpu.dma_semaphore, #tpu.memory_space<semaphore_mem>>, %arg18: memref<!tpu.dma_semaphore, #tpu.memory_space<semaphore_mem>>, %arg19: memref<!tpu.dma_semaphore, #tpu.memory_space<semaphore_mem>>, %arg20: memref<!tpu.dma_semaphore, #tpu.memory_space<semaphore_mem>>) attributes {dimension_semantics = [#tpu.dimension_semantics<core_parallel>, #tpu.dimension_semantics<subcore_parallel>], iteration_bounds = array<i64: 2, 16>, scalar_prefetch = 0 : i64, scratch_operands = 14 : i64, tpu.core_type = #tpu.core_type<sc_vector_subcore>, window_params = [{transform_indices = #map}, {transform_indices = #map1}, {transform_indices = #map1}, {transform_indices = #map1}, {transform_indices = #map1}]} {
    %mul3A = arith.constant 2 : i32
    %mul3A_0 = arith.muli %arg1, %mul3A : i32
    %add3A = arith.addi %mul3A_0, %arg0 : i32
    %mul3A_1 = arith.constant 16384 : i32
    %mul3A_2 = arith.muli %add3A, %mul3A_1 : i32
    %add3A_3 = arith.constant 0 : i32
    %add3A_4 = arith.addi %mul3A_2, %add3A_3 : i32
    %multiple_of3A = tpu.assume_multiple %add3A_4, 128 : i32
    "tpu.region"() ({
      %run_scoped3A = tpu.sem_alloc : memref<!tpu.dma_semaphore, #tpu.memory_space<semaphore_mem>>
      %dma_start3A_90 = tpu.memref_slice %arg2[%multiple_of3A] : memref<524288xi32, #tpu.memory_space<hbm>> -> memref<128xi32, #tpu.memory_space<hbm>>
      %dma_start3A_91 = tpu.memref_slice %arg2[%multiple_of3A] : memref<524288xi32, #tpu.memory_space<hbm>> -> memref<128xi32, #tpu.memory_space<hbm>>
      tpu.enqueue_dma source(%dma_start3A_91 : memref<128xi32, #tpu.memory_space<hbm>>) target(%arg7 : memref<128xi32, #tpu.memory_space<vmem>>) target_semaphore(%run_scoped3A : memref<!tpu.dma_semaphore, #tpu.memory_space<semaphore_mem>>)
      %dma_wait3A_92 = tpu.memref_slice %arg2[%multiple_of3A] : memref<524288xi32, #tpu.memory_space<hbm>> -> memref<128xi32, #tpu.memory_space<hbm>>
      %dma_wait3A_93 = tpu.memref_slice %arg2[%multiple_of3A] : memref<524288xi32, #tpu.memory_space<hbm>> -> memref<128xi32, #tpu.memory_space<hbm>>
      tpu.wait_dma2 semaphore(%run_scoped3A : memref<!tpu.dma_semaphore, #tpu.memory_space<semaphore_mem>>) src(%dma_wait3A_93 : memref<128xi32, #tpu.memory_space<hbm>>) dst(%arg7 : memref<128xi32, #tpu.memory_space<vmem>>)
      tpu.yield
    }) : () -> ()
    %dma_start3A = arith.constant 0 : i32
    %dma_start3A_5 = arith.constant 0 : i32
    %dma_start3A_6 = tpu.memref_slice %arg3[%dma_start3A, %dma_start3A_5] : memref<65536x128xf32, #tpu.memory_space<hbm>> -> memref<65536x128xf32, #tpu.memory_space<hbm>>
    tpu.enqueue_indirect_dma source(%dma_start3A_6 : memref<65536x128xf32, #tpu.memory_space<hbm>>) target(%arg9 : memref<128x128xf32, #tpu.memory_space<vmem>>) offsets(%arg7 : memref<128xi32, #tpu.memory_space<vmem>>) semaphore(%arg13 : memref<!tpu.dma_semaphore, #tpu.memory_space<semaphore_mem>>)
    %dma_start3A_7 = arith.constant 0 : i32
    %dma_start3A_8 = arith.constant 0 : i32
    %dma_start3A_9 = tpu.memref_slice %arg4[%dma_start3A_7, %dma_start3A_8] : memref<65536x128xf32, #tpu.memory_space<hbm>> -> memref<65536x128xf32, #tpu.memory_space<hbm>>
    tpu.enqueue_indirect_dma source(%dma_start3A_9 : memref<65536x128xf32, #tpu.memory_space<hbm>>) target(%arg11 : memref<128x128xf32, #tpu.memory_space<vmem>>) offsets(%arg7 : memref<128xi32, #tpu.memory_space<vmem>>) semaphore(%arg15 : memref<!tpu.dma_semaphore, #tpu.memory_space<semaphore_mem>>)
    %add3A_10 = arith.constant 128 : i32
    %add3A_11 = arith.addi %mul3A_2, %add3A_10 : i32
    %multiple_of3A_12 = tpu.assume_multiple %add3A_11, 128 : i32
    "tpu.region"() ({
      %run_scoped3A = tpu.sem_alloc : memref<!tpu.dma_semaphore, #tpu.memory_space<semaphore_mem>>
      %dma_start3A_90 = tpu.memref_slice %arg2[%multiple_of3A_12] : memref<524288xi32, #tpu.memory_space<hbm>> -> memref<128xi32, #tpu.memory_space<hbm>>
      %dma_start3A_91 = tpu.memref_slice %arg2[%multiple_of3A_12] : memref<524288xi32, #tpu.memory_space<hbm>> -> memref<128xi32, #tpu.memory_space<hbm>>
      tpu.enqueue_dma source(%dma_start3A_91 : memref<128xi32, #tpu.memory_space<hbm>>) target(%arg8 : memref<128xi32, #tpu.memory_space<vmem>>) target_semaphore(%run_scoped3A : memref<!tpu.dma_semaphore, #tpu.memory_space<semaphore_mem>>)
      %dma_wait3A_92 = tpu.memref_slice %arg2[%multiple_of3A_12] : memref<524288xi32, #tpu.memory_space<hbm>> -> memref<128xi32, #tpu.memory_space<hbm>>
      %dma_wait3A_93 = tpu.memref_slice %arg2[%multiple_of3A_12] : memref<524288xi32, #tpu.memory_space<hbm>> -> memref<128xi32, #tpu.memory_space<hbm>>
      tpu.wait_dma2 semaphore(%run_scoped3A : memref<!tpu.dma_semaphore, #tpu.memory_space<semaphore_mem>>) src(%dma_wait3A_93 : memref<128xi32, #tpu.memory_space<hbm>>) dst(%arg8 : memref<128xi32, #tpu.memory_space<vmem>>)
      tpu.yield
    }) : () -> ()
    %dma_start3A_13 = arith.constant 0 : i32
    %dma_start3A_14 = arith.constant 0 : i32
    %dma_start3A_15 = tpu.memref_slice %arg3[%dma_start3A_13, %dma_start3A_14] : memref<65536x128xf32, #tpu.memory_space<hbm>> -> memref<65536x128xf32, #tpu.memory_space<hbm>>
    tpu.enqueue_indirect_dma source(%dma_start3A_15 : memref<65536x128xf32, #tpu.memory_space<hbm>>) target(%arg10 : memref<128x128xf32, #tpu.memory_space<vmem>>) offsets(%arg8 : memref<128xi32, #tpu.memory_space<vmem>>) semaphore(%arg14 : memref<!tpu.dma_semaphore, #tpu.memory_space<semaphore_mem>>)
    %dma_start3A_16 = arith.constant 0 : i32
    %dma_start3A_17 = arith.constant 0 : i32
    %dma_start3A_18 = tpu.memref_slice %arg4[%dma_start3A_16, %dma_start3A_17] : memref<65536x128xf32, #tpu.memory_space<hbm>> -> memref<65536x128xf32, #tpu.memory_space<hbm>>
    tpu.enqueue_indirect_dma source(%dma_start3A_18 : memref<65536x128xf32, #tpu.memory_space<hbm>>) target(%arg12 : memref<128x128xf32, #tpu.memory_space<vmem>>) offsets(%arg8 : memref<128xi32, #tpu.memory_space<vmem>>) semaphore(%arg16 : memref<!tpu.dma_semaphore, #tpu.memory_space<semaphore_mem>>)
    %scan3A = arith.constant 0 : i32
    %scan3A_19 = arith.constant 63 : i32
    %scan3A_20 = arith.addi %scan3A, %scan3A_19 : i32
    %scan3A_21 = arith.constant 1 : i32
    scf.for %scan3A_90 = %scan3A to %scan3A_20 step %scan3A_21  : i32 {
      %mul3A_91 = arith.constant 2 : i32
      %mul3A_92 = arith.muli %scan3A_90, %mul3A_91 : i32
      %dma_wait3A_93 = arith.constant 0 : i32
      %dma_wait3A_94 = arith.constant 0 : i32
      %dma_wait3A_95 = tpu.memref_slice %arg3[%dma_wait3A_93, %dma_wait3A_94] : memref<65536x128xf32, #tpu.memory_space<hbm>> -> memref<65536x128xf32, #tpu.memory_space<hbm>>
      tpu.wait_indirect_dma semaphore(%arg13 : memref<!tpu.dma_semaphore, #tpu.memory_space<semaphore_mem>>) src(%dma_wait3A_95 : memref<65536x128xf32, #tpu.memory_space<hbm>>) dst(%arg9 : memref<128x128xf32, #tpu.memory_space<vmem>>)
      %dma_wait3A_96 = arith.constant 0 : i32
      %dma_wait3A_97 = arith.constant 0 : i32
      %dma_wait3A_98 = tpu.memref_slice %arg4[%dma_wait3A_96, %dma_wait3A_97] : memref<65536x128xf32, #tpu.memory_space<hbm>> -> memref<65536x128xf32, #tpu.memory_space<hbm>>
      tpu.wait_indirect_dma semaphore(%arg15 : memref<!tpu.dma_semaphore, #tpu.memory_space<semaphore_mem>>) src(%dma_wait3A_98 : memref<65536x128xf32, #tpu.memory_space<hbm>>) dst(%arg11 : memref<128x128xf32, #tpu.memory_space<vmem>>)
      %add3A_99 = arith.constant 0 : i32
      %add3A_100 = arith.addi %mul3A_92, %add3A_99 : i32
      %mul3A_101 = arith.constant 128 : i32
      %mul3A_102 = arith.muli %add3A_100, %mul3A_101 : i32
      %add3A_103 = arith.addi %mul3A_2, %mul3A_102 : i32
      %multiple_of3A_104 = tpu.assume_multiple %add3A_103, 128 : i32
      %dma_start3A_105 = arith.constant 0 : i32
      %dma_start3A_106 = tpu.memref_slice %arg5[%multiple_of3A_104, %dma_start3A_105] : memref<524288x128xf32, #tpu.memory_space<hbm>> -> memref<128x128xf32, #tpu.memory_space<hbm>>
      %dma_start3A_107 = arith.constant 0 : i32
      %dma_start3A_108 = tpu.memref_slice %arg5[%multiple_of3A_104, %dma_start3A_107] : memref<524288x128xf32, #tpu.memory_space<hbm>> -> memref<128x128xf32, #tpu.memory_space<hbm>>
      tpu.enqueue_dma source(%arg9 : memref<128x128xf32, #tpu.memory_space<vmem>>) target(%dma_start3A_108 : memref<128x128xf32, #tpu.memory_space<hbm>>) target_semaphore(%arg17 : memref<!tpu.dma_semaphore, #tpu.memory_space<semaphore_mem>>)
      %mul3A_109 = arith.constant 128 : i32
      %mul3A_110 = arith.muli %add3A_100, %mul3A_109 : i32
      %add3A_111 = arith.addi %mul3A_2, %mul3A_110 : i32
      %multiple_of3A_112 = tpu.assume_multiple %add3A_111, 128 : i32
      %dma_start3A_113 = arith.constant 0 : i32
      %dma_start3A_114 = tpu.memref_slice %arg6[%multiple_of3A_112, %dma_start3A_113] : memref<524288x128xf32, #tpu.memory_space<hbm>> -> memref<128x128xf32, #tpu.memory_space<hbm>>
      %dma_start3A_115 = arith.constant 0 : i32
      %dma_start3A_116 = tpu.memref_slice %arg6[%multiple_of3A_112, %dma_start3A_115] : memref<524288x128xf32, #tpu.memory_space<hbm>> -> memref<128x128xf32, #tpu.memory_space<hbm>>
      tpu.enqueue_dma source(%arg11 : memref<128x128xf32, #tpu.memory_space<vmem>>) target(%dma_start3A_116 : memref<128x128xf32, #tpu.memory_space<hbm>>) target_semaphore(%arg19 : memref<!tpu.dma_semaphore, #tpu.memory_space<semaphore_mem>>)
      %dma_wait3A_117 = arith.constant 0 : i32
      %dma_wait3A_118 = arith.constant 0 : i32
      %dma_wait3A_119 = tpu.memref_slice %arg3[%dma_wait3A_117, %dma_wait3A_118] : memref<65536x128xf32, #tpu.memory_space<hbm>> -> memref<65536x128xf32, #tpu.memory_space<hbm>>
      tpu.wait_indirect_dma semaphore(%arg14 : memref<!tpu.dma_semaphore, #tpu.memory_space<semaphore_mem>>) src(%dma_wait3A_119 : memref<65536x128xf32, #tpu.memory_space<hbm>>) dst(%arg10 : memref<128x128xf32, #tpu.memory_space<vmem>>)
      %dma_wait3A_120 = arith.constant 0 : i32
      %dma_wait3A_121 = arith.constant 0 : i32
      %dma_wait3A_122 = tpu.memref_slice %arg4[%dma_wait3A_120, %dma_wait3A_121] : memref<65536x128xf32, #tpu.memory_space<hbm>> -> memref<65536x128xf32, #tpu.memory_space<hbm>>
      tpu.wait_indirect_dma semaphore(%arg16 : memref<!tpu.dma_semaphore, #tpu.memory_space<semaphore_mem>>) src(%dma_wait3A_122 : memref<65536x128xf32, #tpu.memory_space<hbm>>) dst(%arg12 : memref<128x128xf32, #tpu.memory_space<vmem>>)
      %add3A_123 = arith.constant 1 : i32
      %add3A_124 = arith.addi %mul3A_92, %add3A_123 : i32
      %mul3A_125 = arith.constant 128 : i32
      %mul3A_126 = arith.muli %add3A_124, %mul3A_125 : i32
      %add3A_127 = arith.addi %mul3A_2, %mul3A_126 : i32
      %multiple_of3A_128 = tpu.assume_multiple %add3A_127, 128 : i32
      %dma_start3A_129 = arith.constant 0 : i32
      %dma_start3A_130 = tpu.memref_slice %arg5[%multiple_of3A_128, %dma_start3A_129] : memref<524288x128xf32, #tpu.memory_space<hbm>> -> memref<128x128xf32, #tpu.memory_space<hbm>>
      %dma_start3A_131 = arith.constant 0 : i32
      %dma_start3A_132 = tpu.memref_slice %arg5[%multiple_of3A_128, %dma_start3A_131] : memref<524288x128xf32, #tpu.memory_space<hbm>> -> memref<128x128xf32, #tpu.memory_space<hbm>>
      tpu.enqueue_dma source(%arg10 : memref<128x128xf32, #tpu.memory_space<vmem>>) target(%dma_start3A_132 : memref<128x128xf32, #tpu.memory_space<hbm>>) target_semaphore(%arg18 : memref<!tpu.dma_semaphore, #tpu.memory_space<semaphore_mem>>)
      %mul3A_133 = arith.constant 128 : i32
      %mul3A_134 = arith.muli %add3A_124, %mul3A_133 : i32
      %add3A_135 = arith.addi %mul3A_2, %mul3A_134 : i32
      %multiple_of3A_136 = tpu.assume_multiple %add3A_135, 128 : i32
      %dma_start3A_137 = arith.constant 0 : i32
      %dma_start3A_138 = tpu.memref_slice %arg6[%multiple_of3A_136, %dma_start3A_137] : memref<524288x128xf32, #tpu.memory_space<hbm>> -> memref<128x128xf32, #tpu.memory_space<hbm>>
      %dma_start3A_139 = arith.constant 0 : i32
      %dma_start3A_140 = tpu.memref_slice %arg6[%multiple_of3A_136, %dma_start3A_139] : memref<524288x128xf32, #tpu.memory_space<hbm>> -> memref<128x128xf32, #tpu.memory_space<hbm>>
      tpu.enqueue_dma source(%arg12 : memref<128x128xf32, #tpu.memory_space<vmem>>) target(%dma_start3A_140 : memref<128x128xf32, #tpu.memory_space<hbm>>) target_semaphore(%arg20 : memref<!tpu.dma_semaphore, #tpu.memory_space<semaphore_mem>>)
      %add3A_141 = arith.constant 0 : i32
      %add3A_142 = arith.addi %mul3A_92, %add3A_141 : i32
      %mul3A_143 = arith.constant 128 : i32
      %mul3A_144 = arith.muli %add3A_142, %mul3A_143 : i32
      %add3A_145 = arith.addi %mul3A_2, %mul3A_144 : i32
      %multiple_of3A_146 = tpu.assume_multiple %add3A_145, 128 : i32
      %dma_wait3A_147 = arith.constant 0 : i32
      %dma_wait3A_148 = tpu.memref_slice %arg5[%multiple_of3A_146, %dma_wait3A_147] : memref<524288x128xf32, #tpu.memory_space<hbm>> -> memref<128x128xf32, #tpu.memory_space<hbm>>
      %dma_wait3A_149 = arith.constant 0 : i32
      %dma_wait3A_150 = tpu.memref_slice %arg5[%multiple_of3A_146, %dma_wait3A_149] : memref<524288x128xf32, #tpu.memory_space<hbm>> -> memref<128x128xf32, #tpu.memory_space<hbm>>
      tpu.wait_dma2 semaphore(%arg17 : memref<!tpu.dma_semaphore, #tpu.memory_space<semaphore_mem>>) src(%arg9 : memref<128x128xf32, #tpu.memory_space<vmem>>) dst(%dma_wait3A_150 : memref<128x128xf32, #tpu.memory_space<hbm>>)
      %mul3A_151 = arith.constant 128 : i32
      %mul3A_152 = arith.muli %add3A_142, %mul3A_151 : i32
      %add3A_153 = arith.addi %mul3A_2, %mul3A_152 : i32
      %multiple_of3A_154 = tpu.assume_multiple %add3A_153, 128 : i32
      %dma_wait3A_155 = arith.constant 0 : i32
      %dma_wait3A_156 = tpu.memref_slice %arg6[%multiple_of3A_154, %dma_wait3A_155] : memref<524288x128xf32, #tpu.memory_space<hbm>> -> memref<128x128xf32, #tpu.memory_space<hbm>>
      %dma_wait3A_157 = arith.constant 0 : i32
      %dma_wait3A_158 = tpu.memref_slice %arg6[%multiple_of3A_154, %dma_wait3A_157] : memref<524288x128xf32, #tpu.memory_space<hbm>> -> memref<128x128xf32, #tpu.memory_space<hbm>>
      tpu.wait_dma2 semaphore(%arg19 : memref<!tpu.dma_semaphore, #tpu.memory_space<semaphore_mem>>) src(%arg11 : memref<128x128xf32, #tpu.memory_space<vmem>>) dst(%dma_wait3A_158 : memref<128x128xf32, #tpu.memory_space<hbm>>)
      %add3A_159 = arith.constant 2 : i32
      %add3A_160 = arith.addi %mul3A_92, %add3A_159 : i32
      %add3A_161 = arith.constant 0 : i32
      %add3A_162 = arith.addi %add3A_160, %add3A_161 : i32
      %mul3A_163 = arith.constant 128 : i32
      %mul3A_164 = arith.muli %add3A_162, %mul3A_163 : i32
      %add3A_165 = arith.addi %mul3A_2, %mul3A_164 : i32
      %multiple_of3A_166 = tpu.assume_multiple %add3A_165, 128 : i32
      "tpu.region"() ({
        %run_scoped3A = tpu.sem_alloc : memref<!tpu.dma_semaphore, #tpu.memory_space<semaphore_mem>>
        %dma_start3A_205 = tpu.memref_slice %arg2[%multiple_of3A_166] : memref<524288xi32, #tpu.memory_space<hbm>> -> memref<128xi32, #tpu.memory_space<hbm>>
        %dma_start3A_206 = tpu.memref_slice %arg2[%multiple_of3A_166] : memref<524288xi32, #tpu.memory_space<hbm>> -> memref<128xi32, #tpu.memory_space<hbm>>
        tpu.enqueue_dma source(%dma_start3A_206 : memref<128xi32, #tpu.memory_space<hbm>>) target(%arg7 : memref<128xi32, #tpu.memory_space<vmem>>) target_semaphore(%run_scoped3A : memref<!tpu.dma_semaphore, #tpu.memory_space<semaphore_mem>>)
        %dma_wait3A_207 = tpu.memref_slice %arg2[%multiple_of3A_166] : memref<524288xi32, #tpu.memory_space<hbm>> -> memref<128xi32, #tpu.memory_space<hbm>>
        %dma_wait3A_208 = tpu.memref_slice %arg2[%multiple_of3A_166] : memref<524288xi32, #tpu.memory_space<hbm>> -> memref<128xi32, #tpu.memory_space<hbm>>
        tpu.wait_dma2 semaphore(%run_scoped3A : memref<!tpu.dma_semaphore, #tpu.memory_space<semaphore_mem>>) src(%dma_wait3A_208 : memref<128xi32, #tpu.memory_space<hbm>>) dst(%arg7 : memref<128xi32, #tpu.memory_space<vmem>>)
        tpu.yield
      }) : () -> ()
      %dma_start3A_167 = arith.constant 0 : i32
      %dma_start3A_168 = arith.constant 0 : i32
      %dma_start3A_169 = tpu.memref_slice %arg3[%dma_start3A_167, %dma_start3A_168] : memref<65536x128xf32, #tpu.memory_space<hbm>> -> memref<65536x128xf32, #tpu.memory_space<hbm>>
      tpu.enqueue_indirect_dma source(%dma_start3A_169 : memref<65536x128xf32, #tpu.memory_space<hbm>>) target(%arg9 : memref<128x128xf32, #tpu.memory_space<vmem>>) offsets(%arg7 : memref<128xi32, #tpu.memory_space<vmem>>) semaphore(%arg13 : memref<!tpu.dma_semaphore, #tpu.memory_space<semaphore_mem>>)
      %dma_start3A_170 = arith.constant 0 : i32
      %dma_start3A_171 = arith.constant 0 : i32
      %dma_start3A_172 = tpu.memref_slice %arg4[%dma_start3A_170, %dma_start3A_171] : memref<65536x128xf32, #tpu.memory_space<hbm>> -> memref<65536x128xf32, #tpu.memory_space<hbm>>
      tpu.enqueue_indirect_dma source(%dma_start3A_172 : memref<65536x128xf32, #tpu.memory_space<hbm>>) target(%arg11 : memref<128x128xf32, #tpu.memory_space<vmem>>) offsets(%arg7 : memref<128xi32, #tpu.memory_space<vmem>>) semaphore(%arg15 : memref<!tpu.dma_semaphore, #tpu.memory_space<semaphore_mem>>)
      %add3A_173 = arith.constant 1 : i32
      %add3A_174 = arith.addi %mul3A_92, %add3A_173 : i32
      %mul3A_175 = arith.constant 128 : i32
      %mul3A_176 = arith.muli %add3A_174, %mul3A_175 : i32
      %add3A_177 = arith.addi %mul3A_2, %mul3A_176 : i32
      %multiple_of3A_178 = tpu.assume_multiple %add3A_177, 128 : i32
      %dma_wait3A_179 = arith.constant 0 : i32
      %dma_wait3A_180 = tpu.memref_slice %arg5[%multiple_of3A_178, %dma_wait3A_179] : memref<524288x128xf32, #tpu.memory_space<hbm>> -> memref<128x128xf32, #tpu.memory_space<hbm>>
      %dma_wait3A_181 = arith.constant 0 : i32
      %dma_wait3A_182 = tpu.memref_slice %arg5[%multiple_of3A_178, %dma_wait3A_181] : memref<524288x128xf32, #tpu.memory_space<hbm>> -> memref<128x128xf32, #tpu.memory_space<hbm>>
      tpu.wait_dma2 semaphore(%arg18 : memref<!tpu.dma_semaphore, #tpu.memory_space<semaphore_mem>>) src(%arg10 : memref<128x128xf32, #tpu.memory_space<vmem>>) dst(%dma_wait3A_182 : memref<128x128xf32, #tpu.memory_space<hbm>>)
      %mul3A_183 = arith.constant 128 : i32
      %mul3A_184 = arith.muli %add3A_174, %mul3A_183 : i32
      %add3A_185 = arith.addi %mul3A_2, %mul3A_184 : i32
      %multiple_of3A_186 = tpu.assume_multiple %add3A_185, 128 : i32
      %dma_wait3A_187 = arith.constant 0 : i32
      %dma_wait3A_188 = tpu.memref_slice %arg6[%multiple_of3A_186, %dma_wait3A_187] : memref<524288x128xf32, #tpu.memory_space<hbm>> -> memref<128x128xf32, #tpu.memory_space<hbm>>
      %dma_wait3A_189 = arith.constant 0 : i32
      %dma_wait3A_190 = tpu.memref_slice %arg6[%multiple_of3A_186, %dma_wait3A_189] : memref<524288x128xf32, #tpu.memory_space<hbm>> -> memref<128x128xf32, #tpu.memory_space<hbm>>
      tpu.wait_dma2 semaphore(%arg20 : memref<!tpu.dma_semaphore, #tpu.memory_space<semaphore_mem>>) src(%arg12 : memref<128x128xf32, #tpu.memory_space<vmem>>) dst(%dma_wait3A_190 : memref<128x128xf32, #tpu.memory_space<hbm>>)
      %add3A_191 = arith.constant 2 : i32
      %add3A_192 = arith.addi %mul3A_92, %add3A_191 : i32
      %add3A_193 = arith.constant 1 : i32
      %add3A_194 = arith.addi %add3A_192, %add3A_193 : i32
      %mul3A_195 = arith.constant 128 : i32
      %mul3A_196 = arith.muli %add3A_194, %mul3A_195 : i32
      %add3A_197 = arith.addi %mul3A_2, %mul3A_196 : i32
      %multiple_of3A_198 = tpu.assume_multiple %add3A_197, 128 : i32
      "tpu.region"() ({
        %run_scoped3A = tpu.sem_alloc : memref<!tpu.dma_semaphore, #tpu.memory_space<semaphore_mem>>
        %dma_start3A_205 = tpu.memref_slice %arg2[%multiple_of3A_198] : memref<524288xi32, #tpu.memory_space<hbm>> -> memref<128xi32, #tpu.memory_space<hbm>>
        %dma_start3A_206 = tpu.memref_slice %arg2[%multiple_of3A_198] : memref<524288xi32, #tpu.memory_space<hbm>> -> memref<128xi32, #tpu.memory_space<hbm>>
        tpu.enqueue_dma source(%dma_start3A_206 : memref<128xi32, #tpu.memory_space<hbm>>) target(%arg8 : memref<128xi32, #tpu.memory_space<vmem>>) target_semaphore(%run_scoped3A : memref<!tpu.dma_semaphore, #tpu.memory_space<semaphore_mem>>)
        %dma_wait3A_207 = tpu.memref_slice %arg2[%multiple_of3A_198] : memref<524288xi32, #tpu.memory_space<hbm>> -> memref<128xi32, #tpu.memory_space<hbm>>
        %dma_wait3A_208 = tpu.memref_slice %arg2[%multiple_of3A_198] : memref<524288xi32, #tpu.memory_space<hbm>> -> memref<128xi32, #tpu.memory_space<hbm>>
        tpu.wait_dma2 semaphore(%run_scoped3A : memref<!tpu.dma_semaphore, #tpu.memory_space<semaphore_mem>>) src(%dma_wait3A_208 : memref<128xi32, #tpu.memory_space<hbm>>) dst(%arg8 : memref<128xi32, #tpu.memory_space<vmem>>)
        tpu.yield
      }) : () -> ()
      %dma_start3A_199 = arith.constant 0 : i32
      %dma_start3A_200 = arith.constant 0 : i32
      %dma_start3A_201 = tpu.memref_slice %arg3[%dma_start3A_199, %dma_start3A_200] : memref<65536x128xf32, #tpu.memory_space<hbm>> -> memref<65536x128xf32, #tpu.memory_space<hbm>>
      tpu.enqueue_indirect_dma source(%dma_start3A_201 : memref<65536x128xf32, #tpu.memory_space<hbm>>) target(%arg10 : memref<128x128xf32, #tpu.memory_space<vmem>>) offsets(%arg8 : memref<128xi32, #tpu.memory_space<vmem>>) semaphore(%arg14 : memref<!tpu.dma_semaphore, #tpu.memory_space<semaphore_mem>>)
      %dma_start3A_202 = arith.constant 0 : i32
      %dma_start3A_203 = arith.constant 0 : i32
      %dma_start3A_204 = tpu.memref_slice %arg4[%dma_start3A_202, %dma_start3A_203] : memref<65536x128xf32, #tpu.memory_space<hbm>> -> memref<65536x128xf32, #tpu.memory_space<hbm>>
      tpu.enqueue_indirect_dma source(%dma_start3A_204 : memref<65536x128xf32, #tpu.memory_space<hbm>>) target(%arg12 : memref<128x128xf32, #tpu.memory_space<vmem>>) offsets(%arg8 : memref<128xi32, #tpu.memory_space<vmem>>) semaphore(%arg16 : memref<!tpu.dma_semaphore, #tpu.memory_space<semaphore_mem>>)
    }
    %scan3A_22 = arith.constant 63 : i32
    %dma_wait3A = arith.constant 0 : i32
    %dma_wait3A_23 = arith.constant 0 : i32
    %dma_wait3A_24 = tpu.memref_slice %arg3[%dma_wait3A, %dma_wait3A_23] : memref<65536x128xf32, #tpu.memory_space<hbm>> -> memref<65536x128xf32, #tpu.memory_space<hbm>>
    tpu.wait_indirect_dma semaphore(%arg13 : memref<!tpu.dma_semaphore, #tpu.memory_space<semaphore_mem>>) src(%dma_wait3A_24 : memref<65536x128xf32, #tpu.memory_space<hbm>>) dst(%arg9 : memref<128x128xf32, #tpu.memory_space<vmem>>)
    %dma_wait3A_25 = arith.constant 0 : i32
    %dma_wait3A_26 = arith.constant 0 : i32
    %dma_wait3A_27 = tpu.memref_slice %arg4[%dma_wait3A_25, %dma_wait3A_26] : memref<65536x128xf32, #tpu.memory_space<hbm>> -> memref<65536x128xf32, #tpu.memory_space<hbm>>
    tpu.wait_indirect_dma semaphore(%arg15 : memref<!tpu.dma_semaphore, #tpu.memory_space<semaphore_mem>>) src(%dma_wait3A_27 : memref<65536x128xf32, #tpu.memory_space<hbm>>) dst(%arg11 : memref<128x128xf32, #tpu.memory_space<vmem>>)
    %add3A_28 = arith.constant 16128 : i32
    %add3A_29 = arith.addi %mul3A_2, %add3A_28 : i32
    %multiple_of3A_30 = tpu.assume_multiple %add3A_29, 128 : i32
    %dma_start3A_31 = arith.constant 0 : i32
    %dma_start3A_32 = tpu.memref_slice %arg5[%multiple_of3A_30, %dma_start3A_31] : memref<524288x128xf32, #tpu.memory_space<hbm>> -> memref<128x128xf32, #tpu.memory_space<hbm>>
    %dma_start3A_33 = arith.constant 0 : i32
    %dma_start3A_34 = tpu.memref_slice %arg5[%multiple_of3A_30, %dma_start3A_33] : memref<524288x128xf32, #tpu.memory_space<hbm>> -> memref<128x128xf32, #tpu.memory_space<hbm>>
    tpu.enqueue_dma source(%arg9 : memref<128x128xf32, #tpu.memory_space<vmem>>) target(%dma_start3A_34 : memref<128x128xf32, #tpu.memory_space<hbm>>) target_semaphore(%arg17 : memref<!tpu.dma_semaphore, #tpu.memory_space<semaphore_mem>>)
    %add3A_35 = arith.constant 16128 : i32
    %add3A_36 = arith.addi %mul3A_2, %add3A_35 : i32
    %multiple_of3A_37 = tpu.assume_multiple %add3A_36, 128 : i32
    %dma_start3A_38 = arith.constant 0 : i32
    %dma_start3A_39 = tpu.memref_slice %arg6[%multiple_of3A_37, %dma_start3A_38] : memref<524288x128xf32, #tpu.memory_space<hbm>> -> memref<128x128xf32, #tpu.memory_space<hbm>>
    %dma_start3A_40 = arith.constant 0 : i32
    %dma_start3A_41 = tpu.memref_slice %arg6[%multiple_of3A_37, %dma_start3A_40] : memref<524288x128xf32, #tpu.memory_space<hbm>> -> memref<128x128xf32, #tpu.memory_space<hbm>>
    tpu.enqueue_dma source(%arg11 : memref<128x128xf32, #tpu.memory_space<vmem>>) target(%dma_start3A_41 : memref<128x128xf32, #tpu.memory_space<hbm>>) target_semaphore(%arg19 : memref<!tpu.dma_semaphore, #tpu.memory_space<semaphore_mem>>)
    %dma_wait3A_42 = arith.constant 0 : i32
    %dma_wait3A_43 = arith.constant 0 : i32
    %dma_wait3A_44 = tpu.memref_slice %arg3[%dma_wait3A_42, %dma_wait3A_43] : memref<65536x128xf32, #tpu.memory_space<hbm>> -> memref<65536x128xf32, #tpu.memory_space<hbm>>
    tpu.wait_indirect_dma semaphore(%arg14 : memref<!tpu.dma_semaphore, #tpu.memory_space<semaphore_mem>>) src(%dma_wait3A_44 : memref<65536x128xf32, #tpu.memory_space<hbm>>) dst(%arg10 : memref<128x128xf32, #tpu.memory_space<vmem>>)
    %dma_wait3A_45 = arith.constant 0 : i32
    %dma_wait3A_46 = arith.constant 0 : i32
    %dma_wait3A_47 = tpu.memref_slice %arg4[%dma_wait3A_45, %dma_wait3A_46] : memref<65536x128xf32, #tpu.memory_space<hbm>> -> memref<65536x128xf32, #tpu.memory_space<hbm>>
    tpu.wait_indirect_dma semaphore(%arg16 : memref<!tpu.dma_semaphore, #tpu.memory_space<semaphore_mem>>) src(%dma_wait3A_47 : memref<65536x128xf32, #tpu.memory_space<hbm>>) dst(%arg12 : memref<128x128xf32, #tpu.memory_space<vmem>>)
    %add3A_48 = arith.constant 16256 : i32
    %add3A_49 = arith.addi %mul3A_2, %add3A_48 : i32
    %multiple_of3A_50 = tpu.assume_multiple %add3A_49, 128 : i32
    %dma_start3A_51 = arith.constant 0 : i32
    %dma_start3A_52 = tpu.memref_slice %arg5[%multiple_of3A_50, %dma_start3A_51] : memref<524288x128xf32, #tpu.memory_space<hbm>> -> memref<128x128xf32, #tpu.memory_space<hbm>>
    %dma_start3A_53 = arith.constant 0 : i32
    %dma_start3A_54 = tpu.memref_slice %arg5[%multiple_of3A_50, %dma_start3A_53] : memref<524288x128xf32, #tpu.memory_space<hbm>> -> memref<128x128xf32, #tpu.memory_space<hbm>>
    tpu.enqueue_dma source(%arg10 : memref<128x128xf32, #tpu.memory_space<vmem>>) target(%dma_start3A_54 : memref<128x128xf32, #tpu.memory_space<hbm>>) target_semaphore(%arg18 : memref<!tpu.dma_semaphore, #tpu.memory_space<semaphore_mem>>)
    %add3A_55 = arith.constant 16256 : i32
    %add3A_56 = arith.addi %mul3A_2, %add3A_55 : i32
    %multiple_of3A_57 = tpu.assume_multiple %add3A_56, 128 : i32
    %dma_start3A_58 = arith.constant 0 : i32
    %dma_start3A_59 = tpu.memref_slice %arg6[%multiple_of3A_57, %dma_start3A_58] : memref<524288x128xf32, #tpu.memory_space<hbm>> -> memref<128x128xf32, #tpu.memory_space<hbm>>
    %dma_start3A_60 = arith.constant 0 : i32
    %dma_start3A_61 = tpu.memref_slice %arg6[%multiple_of3A_57, %dma_start3A_60] : memref<524288x128xf32, #tpu.memory_space<hbm>> -> memref<128x128xf32, #tpu.memory_space<hbm>>
    tpu.enqueue_dma source(%arg12 : memref<128x128xf32, #tpu.memory_space<vmem>>) target(%dma_start3A_61 : memref<128x128xf32, #tpu.memory_space<hbm>>) target_semaphore(%arg20 : memref<!tpu.dma_semaphore, #tpu.memory_space<semaphore_mem>>)
    %add3A_62 = arith.constant 16128 : i32
    %add3A_63 = arith.addi %mul3A_2, %add3A_62 : i32
    %multiple_of3A_64 = tpu.assume_multiple %add3A_63, 128 : i32
    %dma_wait3A_65 = arith.constant 0 : i32
    %dma_wait3A_66 = tpu.memref_slice %arg5[%multiple_of3A_64, %dma_wait3A_65] : memref<524288x128xf32, #tpu.memory_space<hbm>> -> memref<128x128xf32, #tpu.memory_space<hbm>>
    %dma_wait3A_67 = arith.constant 0 : i32
    %dma_wait3A_68 = tpu.memref_slice %arg5[%multiple_of3A_64, %dma_wait3A_67] : memref<524288x128xf32, #tpu.memory_space<hbm>> -> memref<128x128xf32, #tpu.memory_space<hbm>>
    tpu.wait_dma2 semaphore(%arg17 : memref<!tpu.dma_semaphore, #tpu.memory_space<semaphore_mem>>) src(%arg9 : memref<128x128xf32, #tpu.memory_space<vmem>>) dst(%dma_wait3A_68 : memref<128x128xf32, #tpu.memory_space<hbm>>)
    %add3A_69 = arith.constant 16128 : i32
    %add3A_70 = arith.addi %mul3A_2, %add3A_69 : i32
    %multiple_of3A_71 = tpu.assume_multiple %add3A_70, 128 : i32
    %dma_wait3A_72 = arith.constant 0 : i32
    %dma_wait3A_73 = tpu.memref_slice %arg6[%multiple_of3A_71, %dma_wait3A_72] : memref<524288x128xf32, #tpu.memory_space<hbm>> -> memref<128x128xf32, #tpu.memory_space<hbm>>
    %dma_wait3A_74 = arith.constant 0 : i32
    %dma_wait3A_75 = tpu.memref_slice %arg6[%multiple_of3A_71, %dma_wait3A_74] : memref<524288x128xf32, #tpu.memory_space<hbm>> -> memref<128x128xf32, #tpu.memory_space<hbm>>
    tpu.wait_dma2 semaphore(%arg19 : memref<!tpu.dma_semaphore, #tpu.memory_space<semaphore_mem>>) src(%arg11 : memref<128x128xf32, #tpu.memory_space<vmem>>) dst(%dma_wait3A_75 : memref<128x128xf32, #tpu.memory_space<hbm>>)
    %add3A_76 = arith.constant 16256 : i32
    %add3A_77 = arith.addi %mul3A_2, %add3A_76 : i32
    %multiple_of3A_78 = tpu.assume_multiple %add3A_77, 128 : i32
    %dma_wait3A_79 = arith.constant 0 : i32
    %dma_wait3A_80 = tpu.memref_slice %arg5[%multiple_of3A_78, %dma_wait3A_79] : memref<524288x128xf32, #tpu.memory_space<hbm>> -> memref<128x128xf32, #tpu.memory_space<hbm>>
    %dma_wait3A_81 = arith.constant 0 : i32
    %dma_wait3A_82 = tpu.memref_slice %arg5[%multiple_of3A_78, %dma_wait3A_81] : memref<524288x128xf32, #tpu.memory_space<hbm>> -> memref<128x128xf32, #tpu.memory_space<hbm>>
    tpu.wait_dma2 semaphore(%arg18 : memref<!tpu.dma_semaphore, #tpu.memory_space<semaphore_mem>>) src(%arg10 : memref<128x128xf32, #tpu.memory_space<vmem>>) dst(%dma_wait3A_82 : memref<128x128xf32, #tpu.memory_space<hbm>>)
    %add3A_83 = arith.constant 16256 : i32
    %add3A_84 = arith.addi %mul3A_2, %add3A_83 : i32
    %multiple_of3A_85 = tpu.assume_multiple %add3A_84, 128 : i32
    %dma_wait3A_86 = arith.constant 0 : i32
    %dma_wait3A_87 = tpu.memref_slice %arg6[%multiple_of3A_85, %dma_wait3A_86] : memref<524288x128xf32, #tpu.memory_space<hbm>> -> memref<128x128xf32, #tpu.memory_space<hbm>>
    %dma_wait3A_88 = arith.constant 0 : i32
    %dma_wait3A_89 = tpu.memref_slice %arg6[%multiple_of3A_85, %dma_wait3A_88] : memref<524288x128xf32, #tpu.memory_space<hbm>> -> memref<128x128xf32, #tpu.memory_space<hbm>>
    tpu.wait_dma2 semaphore(%arg20 : memref<!tpu.dma_semaphore, #tpu.memory_space<semaphore_mem>>) src(%arg12 : memref<128x128xf32, #tpu.memory_space<vmem>>) dst(%dma_wait3A_89 : memref<128x128xf32, #tpu.memory_space<hbm>>)
    return
  }
}

module attributes {stable_mosaic.version = 14 : i64} {
  func.func @_attn_body(%arg0: i32, %arg1: i32, %arg2: memref<1x512x128xf32, #tpu.memory_space<vmem>>, %arg3: memref<1x64x128xf32, #tpu.memory_space<vmem>>, %arg4: memref<1x512x128xf32, #tpu.memory_space<vmem>>, %arg5: memref<1x64x128xf32, #tpu.memory_space<vmem>>, %arg6: memref<1x8x1x64xi32, #tpu.memory_space<vmem>>, %arg7: memref<1x1x1x64xi32, #tpu.memory_space<vmem>>, %arg8: memref<1x512x1xi32, #tpu.memory_space<vmem>>, %arg9: memref<512x576xf32, #tpu.memory_space<vmem>>, %arg10: memref<1x512x128xf32, #tpu.memory_space<vmem>>, %arg11: memref<1x512x1xf32, #tpu.memory_space<vmem>>) attributes {dimension_semantics = [#tpu.dimension_semantics<arbitrary>, #tpu.dimension_semantics<arbitrary>], iteration_bounds = array<i64: 16, 64>, scalar_prefetch = 0 : i64, scratch_operands = 0 : i64, tpu.core_type = #tpu.core_type<tc>, window_params = [{transform_indices = @transform_0, window_bounds = array<i64: 1, 512, 128>}, {transform_indices = @transform_1, window_bounds = array<i64: 1, 64, 128>}, {transform_indices = @transform_2, window_bounds = array<i64: 1, 512, 128>}, {transform_indices = @transform_3, window_bounds = array<i64: 1, 64, 128>}, {transform_indices = @transform_4, window_bounds = array<i64: 1, 8, 1, 64>}, {transform_indices = @transform_5, window_bounds = array<i64: 1, 1, 1, 64>}, {transform_indices = @transform_6, window_bounds = array<i64: 1, 512, 1>}, {pipeline_mode = #tpu.pipeline_mode<synchronous>, transform_indices = @transform_7, window_bounds = array<i64: 512, 576>}, {transform_indices = @transform_8, window_bounds = array<i64: 1, 512, 128>}, {transform_indices = @transform_9, window_bounds = array<i64: 1, 512, 1>}]} {
    %get3A = arith.constant 0 : index
    %get3A_0 = arith.constant 0 : index
    %get3A_1 = arith.constant 0 : index
    %get3A_2 = vector.load %arg2[%get3A, %get3A_0, %get3A_1] : memref<1x512x128xf32, #tpu.memory_space<vmem>>, vector<1x512x128xf32>
    %get3A_3 = vector.shape_cast %get3A_2 : vector<1x512x128xf32> to vector<512x128xf32>
    %get3A_4 = arith.constant 0 : index
    %get3A_5 = arith.constant 0 : index
    %get3A_6 = arith.constant 0 : index
    %get3A_7 = vector.load %arg3[%get3A_4, %get3A_5, %get3A_6] : memref<1x64x128xf32, #tpu.memory_space<vmem>>, vector<1x64x128xf32>
    %get3A_8 = vector.shape_cast %get3A_7 : vector<1x64x128xf32> to vector<64x128xf32>
    %concatenate3A = tpu.concatenate %get3A_8, %get3A_3 in 0 : vector<64x128xf32>, vector<512x128xf32> -> vector<576x128xf32>
    %mul3A = arith.mulf %concatenate3A, %concatenate3A : vector<576x128xf32>
    %reduce_sum3A = arith.constant dense<0.000000e+00> : vector<576xf32>
    %reduce_sum3A_9 = vector.multi_reduction <add>, %mul3A, %reduce_sum3A [1] : vector<576x128xf32> to vector<576xf32>
    %broadcast_in_dim3A = vector.shape_cast %reduce_sum3A_9 : vector<576xf32> to vector<576x1xf32>
    %sqrt3A = math.sqrt %broadcast_in_dim3A : vector<576x1xf32>
    %max3A = arith.constant 9.99999996E-13 : f32
    %max3A_10 = vector.broadcast %max3A : f32 to vector<576x1xf32>
    %max3A_11 = arith.maximumf %sqrt3A, %max3A_10 : vector<576x1xf32>
    %div3A = arith.constant 0.0883883461 : f32
    %div3A_12 = vector.broadcast %div3A : f32 to vector<576x1xf32>
    %div3A_13 = arith.divf %div3A_12, %max3A_11 : vector<576x1xf32>
    %mul3A_14 = vector.broadcast %div3A_13 : vector<576x1xf32> to vector<576x128xf32>
    %mul3A_15 = arith.mulf %concatenate3A, %mul3A_14 : vector<576x128xf32>
    %get3A_16 = arith.constant 0 : index
    %get3A_17 = arith.constant 0 : index
    %get3A_18 = arith.constant 0 : index
    %get3A_19 = vector.load %arg5[%get3A_16, %get3A_17, %get3A_18] : memref<1x64x128xf32, #tpu.memory_space<vmem>>, vector<1x64x128xf32>
    %get3A_20 = vector.shape_cast %get3A_19 : vector<1x64x128xf32> to vector<64x128xf32>
    %get3A_21 = arith.constant 0 : index
    %get3A_22 = arith.constant 0 : index
    %get3A_23 = arith.constant 0 : index
    %get3A_24 = vector.load %arg4[%get3A_21, %get3A_22, %get3A_23] : memref<1x512x128xf32, #tpu.memory_space<vmem>>, vector<1x512x128xf32>
    %get3A_25 = vector.shape_cast %get3A_24 : vector<1x512x128xf32> to vector<512x128xf32>
    %concatenate3A_26 = tpu.concatenate %get3A_20, %get3A_25 in 0 : vector<64x128xf32>, vector<512x128xf32> -> vector<576x128xf32>
    %dot_general3A = arith.constant dense<0.000000e+00> : vector<512x576xf32>
    %dot_general3A_27 = tpu.matmul %get3A_3, %mul3A_15, %dot_general3A {dimension_numbers = #tpu.dot_dimension_numbers<[1], [1], [0], [0], [0, 0, 1, 0], [], []>, transpose_lhs_hint = false} : vector<512x128xf32>, vector<576x128xf32>, vector<512x576xf32> -> vector<512x576xf32>
    %get3A_28 = arith.constant 0 : index
    %get3A_29 = arith.constant 0 : index
    %get3A_30 = vector.load %arg9[%get3A_28, %get3A_29] : memref<512x576xf32, #tpu.memory_space<vmem>>, vector<512x576xf32>
    %add3A = arith.addf %dot_general3A_27, %get3A_30 : vector<512x576xf32>
    %get3A_31 = arith.constant 0 : index
    %get3A_32 = arith.constant 0 : index
    %get3A_33 = arith.constant 0 : index
    %get3A_34 = vector.load %arg8[%get3A_31, %get3A_32, %get3A_33] : memref<1x512x1xi32, #tpu.memory_space<vmem>>, vector<1x512x1xi32>
    %get3A_35 = vector.shape_cast %get3A_34 : vector<1x512x1xi32> to vector<512x1xi32>
    %get3A_36 = arith.constant 0 : index
    %get3A_37 = arith.constant 0 : index
    %get3A_38 = arith.constant 0 : index
    %get3A_39 = arith.constant 0 : index
    %get3A_40 = vector.load %arg7[%get3A_36, %get3A_37, %get3A_38, %get3A_39] : memref<1x1x1x64xi32, #tpu.memory_space<vmem>>, vector<1x1x1x64xi32>
    %get3A_41 = vector.shape_cast %get3A_40 : vector<1x1x1x64xi32> to vector<1x64xi32>
    %get3A_42 = arith.constant 0 : index
    %get3A_43 = arith.constant 0 : index
    %get3A_44 = arith.constant 0 : index
    %get3A_45 = arith.constant 0 : index
    %get3A_46 = vector.load %arg6[%get3A_42, %get3A_43, %get3A_44, %get3A_45] : memref<1x8x1x64xi32, #tpu.memory_space<vmem>>, vector<1x1x1x64xi32>
    %get3A_47 = vector.shape_cast %get3A_46 : vector<1x1x1x64xi32> to vector<1x64xi32>
    %concatenate3A_48 = tpu.concatenate %get3A_41, %get3A_47 in 1 : vector<1x64xi32>, vector<1x64xi32> -> vector<1x128xi32>
    %eq3A = vector.broadcast %get3A_35 : vector<512x1xi32> to vector<512x128xi32>
    %eq3A_49 = vector.broadcast %concatenate3A_48 : vector<1x128xi32> to vector<512x128xi32>
    %eq3A_50 = arith.cmpi eq, %eq3A, %eq3A_49 : vector<512x128xi32>
    %slice3A = vector.extract_strided_slice %add3A {offsets = [0, 0], sizes = [512, 128], strides = [1, 1]} : vector<512x576xf32> to vector<512x128xf32>
    %jit3A = arith.constant -1.000000e+09 : f32
    %broadcast_in_dim3A_51 = vector.broadcast %jit3A : f32 to vector<512x128xf32>
    %select_n3A = arith.select %eq3A_50, %broadcast_in_dim3A_51, %slice3A : vector<512x128xi1>, vector<512x128xf32>
    %slice3A_52 = vector.extract_strided_slice %add3A {offsets = [0, 128], sizes = [512, 448], strides = [1, 1]} : vector<512x576xf32> to vector<512x448xf32>
    %concatenate3A_53 = tpu.concatenate %select_n3A, %slice3A_52 in 1 : vector<512x128xf32>, vector<512x448xf32> -> vector<512x576xf32>
    %exp3A = math.exp %concatenate3A_53 : vector<512x576xf32>
    %reduce_sum3A_54 = arith.constant dense<0.000000e+00> : vector<512xf32>
    %reduce_sum3A_55 = vector.multi_reduction <add>, %exp3A, %reduce_sum3A_54 [1] : vector<512x576xf32> to vector<512xf32>
    %broadcast_in_dim3A_56 = vector.shape_cast %reduce_sum3A_55 : vector<512xf32> to vector<512x1xf32>
    %dot_general3A_57 = arith.constant dense<0.000000e+00> : vector<512x128xf32>
    %dot_general3A_58 = tpu.matmul %exp3A, %concatenate3A_26, %dot_general3A_57 {dimension_numbers = #tpu.dot_dimension_numbers<[1], [0], [0], [1], [0, 0, 1, 1], [], []>, transpose_lhs_hint = false} : vector<512x576xf32>, vector<576x128xf32>, vector<512x128xf32> -> vector<512x128xf32>
    %div3A_59 = vector.broadcast %broadcast_in_dim3A_56 : vector<512x1xf32> to vector<512x128xf32>
    %div3A_60 = arith.divf %dot_general3A_58, %div3A_59 : vector<512x128xf32>
    %swap3A = arith.constant 0 : index
    %swap3A_61 = arith.constant 0 : index
    %swap3A_62 = arith.constant 0 : index
    %swap3A_63 = vector.load %arg10[%swap3A, %swap3A_61, %swap3A_62] : memref<1x512x128xf32, #tpu.memory_space<vmem>>, vector<1x512x128xf32>
    %swap3A_64 = vector.shape_cast %swap3A_63 : vector<1x512x128xf32> to vector<512x128xf32>
    %swap3A_65 = vector.shape_cast %div3A_60 : vector<512x128xf32> to vector<1x512x128xf32>
    tpu.vector_store %arg10[%swap3A, %swap3A_61, %swap3A_62], %swap3A_65 {strides = array<i32>} : memref<1x512x128xf32, #tpu.memory_space<vmem>>, vector<1x512x128xf32>,
    %log3A = math.log %broadcast_in_dim3A_56 : vector<512x1xf32>
    %swap3A_66 = arith.constant 0 : index
    %swap3A_67 = arith.constant 0 : index
    %swap3A_68 = arith.constant 0 : index
    %swap3A_69 = vector.load %arg11[%swap3A_66, %swap3A_67, %swap3A_68] : memref<1x512x1xf32, #tpu.memory_space<vmem>>, vector<1x512x1xf32>
    %swap3A_70 = vector.shape_cast %swap3A_69 : vector<1x512x1xf32> to vector<512x1xf32>
    %swap3A_71 = vector.shape_cast %log3A : vector<512x1xf32> to vector<1x512x1xf32>
    tpu.vector_store %arg11[%swap3A_66, %swap3A_67, %swap3A_68], %swap3A_71 {strides = array<i32>} : memref<1x512x1xf32, #tpu.memory_space<vmem>>, vector<1x512x1xf32>,
    return
  }
  func.func @transform_0(%arg0: i32, %arg1: i32) -> (i32, i32, i32) {
    %c0_i32 = arith.constant 0 : i32
    %c0_i32_0 = arith.constant 0 : i32
    return %arg0, %arg1, %c0_i32 : i32, i32, i32
  }
  func.func @transform_1(%arg0: i32, %arg1: i32) -> (i32, i32, i32) {
    %mul3A = arith.constant 8 : i32
    %mul3A_0 = arith.muli %arg1, %mul3A : i32
    %add3A = arith.constant 512 : i32
    %add3A_1 = arith.addi %mul3A_0, %add3A : i32
    %sub3A = arith.constant 1 : i32
    %sub3A_2 = arith.subi %add3A_1, %sub3A : i32
    %jit3A = arith.constant 512 : i32
    %eq3A = arith.constant 0 : i32
    %eq3A_3 = arith.cmpi eq, %jit3A, %eq3A : i32
    %jit3A_4 = arith.constant 1 : i32
    %select_n3A = arith.select %eq3A_3, %jit3A_4, %jit3A : i32
    %rem3A = arith.remsi %sub3A_2, %select_n3A : i32
    %ne3A = arith.constant 0 : i32
    %ne3A_5 = arith.cmpi ne, %rem3A, %ne3A : i32
    %lt3A = arith.constant 0 : i32
    %lt3A_6 = arith.cmpi slt, %rem3A, %lt3A : i32
    %lt3A_7 = arith.constant 0 : i32
    %lt3A_8 = arith.cmpi slt, %select_n3A, %lt3A_7 : i32
    %ne3A_9 = arith.xori %lt3A_6, %lt3A_8 : i1
    %and3A = arith.andi %ne3A_9, %ne3A_5 : i1
    %add3A_10 = arith.addi %rem3A, %select_n3A : i32
    %select_n3A_11 = arith.select %and3A, %add3A_10, %rem3A : i32
    %c0_i32 = arith.constant 0 : i32
    %c0_i32_12 = arith.constant 0 : i32
    return %arg0, %select_n3A_11, %c0_i32 : i32, i32, i32
  }
  func.func @transform_2(%arg0: i32, %arg1: i32) -> (i32, i32, i32) {
    %c0_i32 = arith.constant 0 : i32
    %c0_i32_0 = arith.constant 0 : i32
    return %arg0, %arg1, %c0_i32 : i32, i32, i32
  }
  func.func @transform_3(%arg0: i32, %arg1: i32) -> (i32, i32, i32) {
    %mul3A = arith.constant 8 : i32
    %mul3A_0 = arith.muli %arg1, %mul3A : i32
    %add3A = arith.constant 512 : i32
    %add3A_1 = arith.addi %mul3A_0, %add3A : i32
    %sub3A = arith.constant 1 : i32
    %sub3A_2 = arith.subi %add3A_1, %sub3A : i32
    %jit3A = arith.constant 512 : i32
    %eq3A = arith.constant 0 : i32
    %eq3A_3 = arith.cmpi eq, %jit3A, %eq3A : i32
    %jit3A_4 = arith.constant 1 : i32
    %select_n3A = arith.select %eq3A_3, %jit3A_4, %jit3A : i32
    %rem3A = arith.remsi %sub3A_2, %select_n3A : i32
    %ne3A = arith.constant 0 : i32
    %ne3A_5 = arith.cmpi ne, %rem3A, %ne3A : i32
    %lt3A = arith.constant 0 : i32
    %lt3A_6 = arith.cmpi slt, %rem3A, %lt3A : i32
    %lt3A_7 = arith.constant 0 : i32
    %lt3A_8 = arith.cmpi slt, %select_n3A, %lt3A_7 : i32
    %ne3A_9 = arith.xori %lt3A_6, %lt3A_8 : i1
    %and3A = arith.andi %ne3A_9, %ne3A_5 : i1
    %add3A_10 = arith.addi %rem3A, %select_n3A : i32
    %select_n3A_11 = arith.select %and3A, %add3A_10, %rem3A : i32
    %c0_i32 = arith.constant 0 : i32
    %c0_i32_12 = arith.constant 0 : i32
    return %arg0, %select_n3A_11, %c0_i32 : i32, i32, i32
  }
  func.func @transform_4(%arg0: i32, %arg1: i32) -> (i32, i32, i32, i32) {
    %c0_i32 = arith.constant 0 : i32
    %c0_i32_0 = arith.constant 0 : i32
    %c0_i32_1 = arith.constant 0 : i32
    return %arg0, %arg1, %c0_i32, %c0_i32_0 : i32, i32, i32, i32
  }
  func.func @transform_5(%arg0: i32, %arg1: i32) -> (i32, i32, i32, i32) {
    %mul3A = arith.constant 8 : i32
    %mul3A_0 = arith.muli %arg1, %mul3A : i32
    %add3A = arith.constant 512 : i32
    %add3A_1 = arith.addi %mul3A_0, %add3A : i32
    %sub3A = arith.constant 1 : i32
    %sub3A_2 = arith.subi %add3A_1, %sub3A : i32
    %jit3A = arith.constant 512 : i32
    %eq3A = arith.constant 0 : i32
    %eq3A_3 = arith.cmpi eq, %jit3A, %eq3A : i32
    %jit3A_4 = arith.constant 1 : i32
    %select_n3A = arith.select %eq3A_3, %jit3A_4, %jit3A : i32
    %rem3A = arith.remsi %sub3A_2, %select_n3A : i32
    %ne3A = arith.constant 0 : i32
    %ne3A_5 = arith.cmpi ne, %rem3A, %ne3A : i32
    %lt3A = arith.constant 0 : i32
    %lt3A_6 = arith.cmpi slt, %rem3A, %lt3A : i32
    %lt3A_7 = arith.constant 0 : i32
    %lt3A_8 = arith.cmpi slt, %select_n3A, %lt3A_7 : i32
    %ne3A_9 = arith.xori %lt3A_6, %lt3A_8 : i1
    %and3A = arith.andi %ne3A_9, %ne3A_5 : i1
    %add3A_10 = arith.addi %rem3A, %select_n3A : i32
    %select_n3A_11 = arith.select %and3A, %add3A_10, %rem3A : i32
    %c0_i32 = arith.constant 0 : i32
    %c0_i32_12 = arith.constant 0 : i32
    %c0_i32_13 = arith.constant 0 : i32
    return %arg0, %select_n3A_11, %c0_i32, %c0_i32_12 : i32, i32, i32, i32
  }
  func.func @transform_6(%arg0: i32, %arg1: i32) -> (i32, i32, i32) {
    %c0_i32 = arith.constant 0 : i32
    %c0_i32_0 = arith.constant 0 : i32
    return %arg0, %arg1, %c0_i32 : i32, i32, i32
  }
  func.func @transform_7(%arg0: i32, %arg1: i32) -> (i32, i32) {
    %c0_i32 = arith.constant 0 : i32
    %c0_i32_0 = arith.constant 0 : i32
    %c0_i32_1 = arith.constant 0 : i32
    return %c0_i32, %c0_i32_0 : i32, i32
  }
  func.func @transform_8(%arg0: i32, %arg1: i32) -> (i32, i32, i32) {
    %c0_i32 = arith.constant 0 : i32
    %c0_i32_0 = arith.constant 0 : i32
    return %arg0, %arg1, %c0_i32 : i32, i32, i32
  }
  func.func @transform_9(%arg0: i32, %arg1: i32) -> (i32, i32, i32) {
    %c0_i32 = arith.constant 0 : i32
    %c0_i32_0 = arith.constant 0 : i32
    return %arg0, %arg1, %c0_i32 : i32, i32, i32
  }
}

</mosaic_0001>

<sc_bundles>
// kernel: gather_offload_async_start
scs
__scs_entry_jumppad:
0x0: {  	(pc) =	sbr.rel $0x88, $3  }
0x1: {  	(tag) =	ssettag $0x0;
	lr =	simm.s32 $0x1  }
0x2: {  	[smem:$0x3F9E] =	sst lr;
	_ =	strace $0xD0000000  }
0x3: {  	_ = 	snop  }
0x4: {  	_ = 	snop  }
0x5: {  	_ = 	snop  }
0x6: {  	_ = 	snop  }
0x7: {  	_ = 	snop  }
__scs_overlays_trampoline_lowered:
0x8: {  	[smem:$0x3FAD] =	sst s0  }
0x9: {  	[smem:$0x3FAE] =	sst s1  }
0xa: {  	[smem:$0x3FAF] =	sst s2  }
0xb: {  	[smem:$0x3FB0] =	sst s3  }
0xc: {  	[smem:$0x3FB1] =	sst s4  }
0xd: {  	[smem:$0x3FB2] =	sst s5  }
0xe: {  	[smem:$0x3FB3] =	sst s6  }
0xf: {  	[smem:$0x3FB4] =	sst s7  }
0x10: {  	[smem:$0x3FB5] =	sst s8  }
0x11: {  	[smem:$0x3FB6] =	sst s9;
	s0 =	simm.s32 @!p0 $0x0  }
0x12: {  	s1 =	sld [smem:$0x3F9C];
	s0 =	simm.s32 @p0 $0x1  }
0x13: {  	[smem:$0x3FB7] =	sst s0;
	s0 =	simm.s32 @!p1 $0x0  }
0x14: {  	s2 =	sld [smem:$0x3F9B];
	s0 =	simm.s32 @p1 $0x1  }
0x15: {  	[smem:$0x3FB8] =	sst s0;
	s0 =	simm.s32 @!p2 $0x0  }
0x16: {  	s3 =	sld [smem:$0x3FDB];
	s0 =	simm.s32 @p2 $0x1  }
0x17: {  	s4 =	simm.s32 $0x1BF5;
	[smem:$0x3FBA] =	sst s0  }
0x18: {  	s0 =	sld [smem:$0x3F9D];
	_ =	swait.ge [sflag:s4], $0x0  }
0x19: {  	s7 =	sld [smem:$0x3F9E]  }
0x1a: {  	s8 =	sadd.s32 $0xFFFFE003, lr  }
0x1b: {  	s9 =	sadd.s32 $0xFFFFFEF7, lr;
	s5 =	simm.s32 $0xFFFFFFFF;
	p2 =	slt.u32 s8, $0xFFFFF086  }
0x1c: {  	p1 =	slt.u32 s9, $0xF7A;
	s5 =	simm.s32 @!p2 $0x0  }
0x1d: {  	s5 =	simm.s32 @p1 $0x1;
	p0 =	seq.s32 s7, s2  }
0x1e: {  	s7 =	smul.u32 @!p0 $0xF7A, s2;
	p2 =	seq.s32 @!p0 s5, $0x0  }
0x1f: {  	s9 =	smul.u32 $0xF7A, s1;
	s8 =	simm.s32 @!p0 $0x1BF5;
	p2 =	por !p2, p0  }
0x20: {  	[sflag:s8] =	ssyncset.s32 @!p0 $0xFFFFF086;
	s6 =	sadd.s32 @!p0 s3, s7;
	s7 =	simm.s32 @!p0 $0x108  }
0x21: {  	s3 =	sadd.s32 s3, s9;
	s6 =	sadd.s32 @!p0 $0x88, s6;
	s7 =	simm.s32 @p2 $0x1082  }
0x22: {  	[simem:s7], [sflag:s8] =	dma.local @!p0 [hbm:s6], $0xF7A  }
0x23: {  	s9 =	sor.u32 $0xD0000000, s2;
	s6 =	simm.s32 $0x108;
	_ =	swait.ge @!p0 [sflag:s8], $0x0  }
0x24: {  	s3 =	sadd.s32 $0x88, s3;
	s6 =	simm.s32 @!p1 $0x1082;
	[sflag:s4] =	ssyncset.s32 $0xFFFFF086  }
0x25: {  	[simem:s6], [sflag:s4] =	dma.local [hbm:s3], $0xF7A  }
0x26: {  	[smem:$0x3F9E] =	sst s1;
	(tag) =	ssettag s2;
	_ =	strace s9  }
0x27: {  	s1 =	sld [smem:$0x3FAE]  }
0x28: {  	s2 =	sld [smem:$0x3FAF]  }
0x29: {  	s4 =	sld [smem:$0x3FB1]  }
0x2a: {  	p0 =	seq.s32 s5, $0x0;
	s5 =	sld [smem:$0x3FB2]  }
0x2b: {  	s6 =	sld [smem:$0x3FB3]  }
0x2c: {  	s7 =	sld [smem:$0x3FB4]  }
0x2d: {  	s3 =	simm.s32 $0x108;
	s8 =	sld [smem:$0x3FB5]  }
0x2e: {  	s3 =	simm.s32 @!p0 $0x1082;
	s9 =	sld [smem:$0x3FB6]  }
0x2f: {  	lr =	sadd.s32 s0, s3;
	s0 =	sld [smem:$0x3FAD]  }
0x30: {  	s3 =	sld [smem:$0x3FB0]  }
0x31: {  	[smem:$0x3FB9] =	sst s10  }
0x32: {  	s10 =	sld [smem:$0x3FB7];
	_ =	sdelay $0x3  }
0x33: {  	p0 =	seq.s32 s10, $0x1;
	s10 =	sld [smem:$0x3FB9];
	_ =	sdelay $0x3  }
0x34: {  	[smem:$0x3FB9] =	sst s10  }
0x35: {  	s10 =	sld [smem:$0x3FB8];
	_ =	sdelay $0x3  }
0x36: {  	p1 =	seq.s32 s10, $0x1;
	s10 =	sld [smem:$0x3FB9];
	_ =	sdelay $0x3  }
0x37: {  	[smem:$0x3FB9] =	sst s10  }
0x38: {  	s10 =	sld [smem:$0x3FBA]  }
0x39: {  	_ = 	snop;
	(pc) =	sbr.ind lr, $3  }
0x3a: {  	_ = 	snop  }
0x3b: {  	_ = 	snop  }
0x3c: {  	p2 =	seq.s32 s10, $0x1;
	s10 =	sld [smem:$0x3FB9]  }
0x3d: {  	_ =	shalt  }
0x3e: {  	_ =	shalt  }
0x3f: {  	_ =	shalt  }
0x40: {  	_ =	shalt  }
0x41: {  	_ =	shalt  }
0x42: {  	_ =	shalt  }
0x43: {  	_ =	shalt  }
0x44: {  	_ =	shalt  }
0x45: {  	_ =	shalt  }
0x46: {  	_ =	shalt  }
0x47: {  	_ =	shalt  }
0x48: {  	_ =	shalt  }
0x49: {  	_ =	shalt  }
0x4a: {  	_ =	shalt  }
0x4b: {  	_ =	shalt  }
0x4c: {  	_ =	shalt  }
0x4d: {  	_ =	shalt  }
0x4e: {  	_ =	shalt  }
0x4f: {  	_ =	shalt  }
0x50: {  	_ =	shalt  }
0x51: {  	_ =	shalt  }
0x52: {  	_ =	shalt  }
0x53: {  	_ =	shalt  }
0x54: {  	_ =	shalt  }
0x55: {  	_ =	shalt  }
0x56: {  	_ =	shalt  }
0x57: {  	_ =	shalt  }
0x58: {  	_ =	shalt  }
0x59: {  	_ =	shalt  }
0x5a: {  	_ =	shalt  }
0x5b: {  	_ =	shalt  }
0x5c: {  	_ =	shalt  }
0x5d: {  	_ =	shalt  }
0x5e: {  	_ =	shalt  }
0x5f: {  	_ =	shalt  }
0x60: {  	_ =	shalt  }
0x61: {  	_ =	shalt  }
0x62: {  	_ =	shalt  }
0x63: {  	_ =	shalt  }
0x64: {  	_ =	shalt  }
0x65: {  	_ =	shalt  }
0x66: {  	_ =	shalt  }
0x67: {  	_ =	shalt  }
0x68: {  	_ =	shalt  }
0x69: {  	_ =	shalt  }
0x6a: {  	_ =	shalt  }
0x6b: {  	_ =	shalt  }
0x6c: {  	_ =	shalt  }
0x6d: {  	_ =	shalt  }
0x6e: {  	_ =	shalt  }
0x6f: {  	_ =	shalt  }
0x70: {  	_ =	shalt  }
0x71: {  	_ =	shalt  }
0x72: {  	_ =	shalt  }
0x73: {  	_ =	shalt  }
0x74: {  	_ =	shalt  }
0x75: {  	_ =	shalt  }
0x76: {  	_ =	shalt  }
0x77: {  	_ =	shalt  }
0x78: {  	_ =	shalt  }
0x79: {  	_ =	shalt  }
0x7a: {  	_ =	shalt  }
0x7b: {  	_ =	shalt  }
0x7c: {  	_ =	shalt  }
0x7d: {  	_ =	shalt  }
0x7e: {  	_ =	shalt  }
0x7f: {  	_ =	shalt  }
0x80: {  	_ =	shalt  }
0x81: {  	_ =	shalt  }
0x82: {  	_ =	shalt  }
0x83: {  	_ =	shalt  }
0x84: {  	_ =	shalt  }
0x85: {  	_ =	shalt  }
0x86: {  	_ =	shalt  }
0x87: {  	_ =	shalt  }
.Lfunc_end0:
.L_simem_size_0:
called_computation_lowered:
.L_overlay_start_0:
0x88: {  	s2 =	sld [smem:$0x3FD9]  }
0x89: {  	s3 =	sld [smem:$0x3FFE];
	_ =	sdelay $0x1  }
0x8a: {  	s1 =	srdreg.scid  }
0x8b: {  	s0 =	sand.u32 $0x1, s1  }
0x8c: {  	s16 =	sshll.u32 s0, $0xA;
	s2 =	sadd.s32 s3, s2  }
0x8d: {  	s2 =	sadd.s32 s2, s16  }
0x8e: {  	[smem:$0x3FC5] =	sst s2  }
0x8f: {  	_ = 	snop  }
0x90: {  	(tm) =	ssettm $0x1  }
0x91: {  	s17 =	sld [smem:$0x3FFB];
	_ =	sdelay $0x3  }
0x92: {  	_ =	strace s17  }
0x93: {  	s2 =	sld [smem:$0x3FFC];
	_ =	sdelay $0x3  }
0x94: {  	_ =	strace s2  }
0x95: {  	s2 =	sld [smem:$0x3FFD];
	_ =	sdelay $0x3  }
0x96: {  	_ =	strace s2  }
0x97: {  	_ =	strace $0x8FFFFFFF  }
0x98: {  	s18 =	sld [smem:$0x3FDB];
	_ =	sdelay $0x1  }
0x99: {  	s19 =	simm.s32 $_scs_section_size  }
0x9a: {  	s4 =	simm.s32 $_size__tile_overlayer_lowered;
	s5 =	simm.s32 $_tile_overlayer_lowered  }
0x9b: {  	s22 =	simm.s32 $0x1BFF;
	s21 =	sshll.u32 s5, $0x1;
	s2 =	sadd.s32 s19, s18  }
0x9c: {  	s6 =	simm.s32 $0x0;
	s20 =	sshll.u32 s4, $0x1;
	s4 =	sadd.s32 s21, s2  }
0x9d: {  	[timem:s6], [sflag:s22] =	dma.local [hbm:s4], s20  }
0x9e: {  	_ =	swait.ge [sflag:s22], s20  }
0x9f: {  	s3 =	ssub.s32 $0x0, s20;
	[sflag:s22] =	ssyncset.done $0x0  }
0xa0: {  	[sflag:s22] =	ssyncadd.s32 s3;
	_ =	sdelay $0x1  }
0xa1: {  	s23 =	simm.s32 $0x1B8B  }
0xa2: {  	_ =	swait.ge [sflag:s23], $0x1  }
0xa3: {  	[sflag:s23] =	ssyncset.done $0x0  }
0xa4: {  	s25 =	simm.s32 $0x1B8E;
	s24 =	sld [smem:$0x3FFE];
	[sflag:s23] =	ssyncadd.s32 $0xFFFFFFFF  }
0xa5: {  	s26 =	simm.s32 $execute0_lowered;
	[smem:$0x3FD2] =	sst s25  }
0xa6: {  	s4 =	sshll.u32 s26, $0x1;
	_ =	strace $0x80000049;
	[dreg:$0x1] =	wrdreg $0xFFFFFFFF  }
0xa7: {  	s28 =	simm.s32 $_size_execute0_lowered;
	s2 =	sadd.s32 s2, s4;
	[dreg:$0x0] =	wrdreg $0x0  }
0xa8: {  	s4 =	sshll.u32 s28, $0x1;
	[dreg:$0x2] =	wrdreg s2  }
0xa9: {  	[dreg:$0x3] =	wrdreg s4  }
0xaa: {  	[dreg:$0x4] =	wrdreg $0xC0  }
0xab: {  	_ =	task [dreg:s6], $0x5FFFF  }
0xac: {  	[dreg:$0x1] =	wrdreg $0xFFFFFFFF  }
0xad: {  	[dreg:$0x0] =	wrdreg $0x60  }
0xae: {  	[dreg:$0x2] =	wrdreg s24  }
0xaf: {  	[dreg:$0x3] =	wrdreg $0x9  }
0xb0: {  	_ =	task.clear_ibuf [dreg:s6], $0x4FFFF;
	_ =	strace $0x90000049  }
0xb1: {  	s29 =	simm.s32 $0x9;
	_ =	strace $0x8000004B  }
0xb2: {  	_ =	swait.ge [sflag:s29], $0x1  }
0xb3: {  	[sflag:s29] =	ssyncadd.s32 $0xFFFFFFFF  }
0xb4: {  	_ =	strace $0x9000004B  }
0xb5: {  	_ =	sfence  }
0xb6: {  	s30 =	sld [smem:$0x0];
	_ =	sdelay $0x2  }
0xb7: {  	s31 =	sshll.u32 s1, $0xD;
	s1 =	sshrl.u32 s1, $0x2  }
0xb8: {  	s3 =	sand.u32 $0x4000, s31;
	s1 =	sadd.s32 s1, s30  }
0xb9: {  	s0 =	sor.u32 s3, s0;
	s1 =	sshll.u32 s1, $0x11  }
0xba: {  	s0 =	sor.u32 s1, s0  }
0xbb: {  	s0 =	sadd.s32 $0x8F2B, s0  }
0xbc: {  	[sflag:s0] =	ssyncadd.remote.s32 $0x1  }
0xbd: {  	_ =	sfence.sel $0xFFFF  }
0xbe: {  	[dreg:$0x0] =	wrdreg $0xFFFFFFFF;
	(pc) =	sbr.abs _section_cstart, $3  }
0xbf: {  	[dreg:$0x1] =	wrdreg $0xFFFFFFFF  }
0xc0: {  	_ =	task.clear_ibuf [dreg:s6], $0x2FFFF;
	_ =	strace $0x9FFFFFFF  }
0xc1: {  	(tm) =	ssettm $0x7FFFFFFF  }
tec
execute0_lowered:
.L_overlay_start_1:
0x0: {  	(tag) =	ssettag $0x1  }
0x1: {  	s0 =	srdreg.scid;
	s5 =	rddreg [dreg:$0x0]  }
0x2: {  	s1 =	stileid.u32;
	s6 =	simm.s32 $0x1;
	s9 =	simm.s32 $0x1  }
0x3: {  	s10 =	simm.s32 $0x3;
	s13 =	simm.s32 $0x0;
	s2 =	sshll.u32 s0, $0xD  }
0x4: {  	s12 =	simm.s32 $0x0;
	s3 =	sshll.u32 s1, $0xE;
	s2 =	sand.u32 $0x2000, s2  }
0x5: {  	s0 =	rddreg [dreg:$0x1];
	_ =	strace $0x8000004A;
	s2 =	sor.u32 s3, s2  }
0x6: {  	s4 =	sadd.s32 $0x1820000, s5;
	[sflag:s6] =	ssyncpa.u1 $0x0;
	s8 =	ssub.s32 $0x80000, s2  }
.Ltmp0:
0x7: {  	s3 =	sadd.s32 $0x1020000, s5;
	s7 =	sand.u32 $0x3E000, s8;
	(pc) =	sbr.rel .LBB2_1-.Ltmp0, $4  }
0x8: {  	s5 =	sadd.s32 $0x1030000, s5;
	s11 =	smov.u32 s2;
	p0 =	sne.s32 s7, $0x0  }
0x9: {  	s8 =	sshrl.u32 s8, $0x12;
	s7 =	simm.s32 $0x2;
	s9 =	simm.s32 @!p0 $0x0  }
0xa: {  	[sflag:s7] =	ssyncpa.u1 $0x0;
	p0 =	por $0x0, $0x0;
	s8 =	sadd.s32 s9, s8  }
0xb: {  	vm0 =	vmmov $0xffff;
	[sflag:s10] =	ssyncpa.u1 $0x0;
	s10 =	simm.s32 $0x0;
	s9 =	sadd.s32 $0x1, s8  }
.LBB2_4:
0xc: {  	vm1 =	veq.s32 v0, $0x80000000;
	v63 =	vand.u32 $0xF, v0;
	v2 =	vand.u32 $0x7FFF, v2  }
0xd: {  	v0 =	vsel vm1, $0xFFFFFFFF, v63;
	v2 =	vsel vm1, $0xFFFFFFFF, v2  }
0xe: {  	v3 =	vshll.u32 v0, $0xF;
	v4 =	vshll.u32 v2, $0x3  }
0xf: {  	v0 =	vshll.u32 v0, $0x7;
	v3 =	vand.u32 $0xFFFC0000, v3;
	v4 =	vand.u32 $0xFFFFFC00, v4  }
0x10: {  	v0 =	vand.u32 $0x380, v0;
	v3 =	vadd.s32 v3, v4  }
0x11: {  	v2 =	vand.u32 $0x7F, v2;
	v0 =	vor.u32 v0, v3  }
0x12: {  	v0 =	vor.u32 v2, v0;
	_ =	sdelay $0x1  }
0x13: {  	(ifvalue) =	ssetifvalue $0x7FFFFFFF;
	s14 =	sadd.s32 $0x10, s14  }
0x14: {  	[tilespmem:s14], [sflag:$0x1] =	stream.indirect_vreg.gather [hbm4b:s3+s10], $0x1, v1, vm0, $0x4038;
	[tilespmem:$0x8000] =	vst v63  }
0x15: {  	(ifvalue) =	ssetifvalue $0x7FFFFFFF;
	s14 =	sadd.s32 $0x10, s14  }
0x16: {  	[tilespmem:s14], [sflag:$0x1] =	stream.indirect_vreg.gather [hbm4b:s3+s10], $0x1, v0, vm0, $0x4038;
	[tilespmem:$0x8000] =	vst v63  }
0x17: {  	_ =	swait.ge [sflag:s6], $0x2000  }
0x18: {  	s30 =	sshrl.u32 s13, $0x3;
	[sflag:s6] =	ssyncset.done $0x0  }
0x19: {  	s31 =	sand.u32 $0x7, s13;
	s14 =	sadd.s32 s5, s30;
	[sflag:s6] =	ssyncadd.s32 $0xFFFFE000  }
0x1a: {  	[hbm4b:s14+s31] =	stream.linear.scatter [tilespmem:s15], [sflag:$0x3], $0x2000, $0x38;
	[tilespmem:$0x8000] =	vst v63  }
.LBB2_5:
0x1b: {  	s15 =	sadd.s32 $0x40000, s11  }
0x1c: {  	p2 =	sgt.s32 s15, $0x7FFFF  }
0x1d: {  	s15 =	smov.u32 @p2 s2;
	p2 =	sne.s32 s12, s9  }
.Ltmp1:
0x1e: {  	p1 =	slt.u32 s12, $0x2;
	(pc) =	sbr.rel @!p2 .LBB2_6-.Ltmp1, $4  }
0x1f: {  	s14 =	simm.s32 @!p1 $0x3  }
0x20: {  	s16 =	sadd.s32 $0x1, s12;
	_ =	swait.ge @!p1 [sflag:s14], $0x2000  }
0x21: {  	s13 =	smov.u32 s11;
	p0 =	por !p0, !p0;
	[sflag:s14] =	ssyncset.done @!p1 $0x0  }
0x22: {  	s12 =	smov.u32 s16;
	s11 =	smov.u32 s15;
	[sflag:s14] =	ssyncadd.s32 @!p1 $0xFFFFE000  }
.LBB2_1:
0x23: {  	p1 =	sge.u32 s12, s8  }
0x24: {  	s14 =	sxor.u32 @!p1 $0xFFFFFFFF, s12  }
0x25: {  	s31 =	sadd.s32 $0xFFFFFFFF, s12;
	s15 =	sshrl.u32 @!p1 s11, $0x3;
	s14 =	sshll.u32 @!p1 s14, $0xD  }
0x26: {  	s16 =	sand.u32 @!p1 $0x7, s11;
	s15 =	sadd.s32 @!p1 s4, s15;
	s14 =	sand.u32 @!p1 $0x2000, s14  }
0x27: {  	[tilespmem:s14], [sflag:$0x2] =	stream.linear.gather @!p1 [hbm4b:s15+s16], $0x2000, $0x38;
	[tilespmem:$0x8000] =	vst v63  }
0x28: {  	p1 =	sge.u32 s31, s8  }
.Ltmp2:
0x29: {  	_ = 	snop;
	(pc) =	sbr.rel @p1 .LBB2_5-.Ltmp2, $1  }
0x2a: {  	_ =	sdelay $0x3  }
0x2b: {  	s14 =	simm.s32 $0x1  }
0x2c: {  	_ =	swait.ge [sflag:s7], $0x2000;
	s14 =	simm.s32 @!p0 $0x0  }
0x2d: {  	[sflag:s7] =	ssyncset.done $0x0;
	s14 =	sshll.u32 s14, $0xD  }
0x2e: {  	[sflag:s7] =	ssyncadd.s32 $0xFFFFE000;
	(ifvalue) =	ssetifvalue $0x7FFFFFFF;
	v0 =	vld.msk [tilespmem:s14+$0x0 ss:$0x1], $0xffff;
	_ =	sdelay $0x3  }
0x2f: {  	s15 =	sadd.s32 $0x10, s14  }
0x30: {  	v2 =	vld.msk [tilespmem:s15+$0x0 ss:$0x1], $0xffff;
	v1 =	vshrl.u32 v0, $0x4  }
0x31: {  	vm1 =	veq.s32 v0, $0x80000000;
	v0 =	vand.u32 $0xF, v0;
	v1 =	vand.u32 $0x7FFF, v1  }
0x32: {  	v0 =	vsel vm1, $0xFFFFFFFF, v0;
	v1 =	vsel vm1, $0xFFFFFFFF, v1  }
0x33: {  	v3 =	vshll.u32 v0, $0xF;
	v4 =	vshll.u32 v1, $0x3  }
0x34: {  	v0 =	vshll.u32 v0, $0x7;
	v3 =	vand.u32 $0xFFFC0000, v3;
	v4 =	vand.u32 $0xFFFFFC00, v4  }
0x35: {  	vm1 =	veq.s32 v2, $0x80000000;
	v0 =	vand.u32 $0x380, v0;
	v3 =	vadd.s32 v3, v4  }
0x36: {  	v1 =	vand.u32 $0x7F, v1;
	v0 =	vor.u32 v0, v3;
	v3 =	vshrl.u32 v2, $0x4  }
0x37: {  	s17 =	sadd.s32 $0x10, s15;
	v2 =	vand.u32 $0xF, v2;
	v1 =	vor.u32 v1, v0;
	v3 =	vand.u32 $0x7FFF, v3  }
0x38: {  	v0 =	vld.msk [tilespmem:s17+$0x0 ss:$0x1], $0xffff;
	v2 =	vsel vm1, $0xFFFFFFFF, v2;
	v3 =	vsel vm1, $0xFFFFFFFF, v3  }
0x39: {  	v63 =	vshll.u32 v2, $0xF;
	v5 =	vshll.u32 v3, $0x3  }
0x3a: {  	s31 =	sshll.u32 s12, $0xD;
	v2 =	vshll.u32 v2, $0x7;
	v4 =	vand.u32 $0xFFFC0000, v63;
	v5 =	vand.u32 $0xFFFFFC00, v5  }
0x3b: {  	s14 =	sor.u32 $0x4000, s14;
	s15 =	sand.u32 $0x2000, s31;
	(ifvalue) =	ssetifvalue $0x7FFFFFFF;
	v2 =	vand.u32 $0x380, v2;
	v4 =	vadd.s32 v4, v5  }
0x3c: {  	[tilespmem:s14], [sflag:$0x1] =	stream.indirect_vreg.gather [hbm4b:s3+s10], $0x1, v1, vm0, $0x4038;
	v1 =	vand.u32 $0x7F, v3;
	v3 =	vor.u32 v2, v4;
	[tilespmem:$0x8000] =	vst v63  }
0x3d: {  	s16 =	simm.s32 $0x20;
	s15 =	sor.u32 $0x4000, s15;
	s17 =	sadd.s32 $0x10, s17;
	v2 =	vshrl.u32 v0, $0x4;
	v1 =	vor.u32 v1, v3  }
.LBB2_3:
0x3e: {  	s16 =	sadd.s32 $0x10, s16;
	vm1 =	veq.s32 v0, $0x80000000;
	v3 =	vand.u32 $0xF, v0;
	v0 =	vld.msk [tilespmem:s17+$0x0 ss:$0x1], $0xffff;
	v2 =	vand.u32 $0x7FFF, v2  }
0x3f: {  	p1 =	slt.u32 s16, $0x1FF0;
	v3 =	vsel vm1, $0xFFFFFFFF, v3;
	v2 =	vsel vm1, $0xFFFFFFFF, v2  }
.Ltmp3:
0x40: {  	v4 =	vshll.u32 v3, $0xF;
	v5 =	vshll.u32 v2, $0x3;
	(pc) =	sbr.rel @p1 .LBB2_3-.Ltmp3, $4  }
0x41: {  	s14 =	sadd.s32 $0x10, s14;
	v3 =	vshll.u32 v3, $0x7;
	v4 =	vand.u32 $0xFFFC0000, v4;
	v5 =	vand.u32 $0xFFFFFC00, v5;
	(ifvalue) =	ssetifvalue $0x7FFFFFFF  }
0x42: {  	v3 =	vand.u32 $0x380, v3;
	v4 =	vadd.s32 v4, v5;
	[tilespmem:s14], [sflag:$0x1] =	stream.indirect_vreg.gather [hbm4b:s3+s10], $0x1, v1, vm0, $0x4038;
	[tilespmem:$0x8000] =	vst v63  }
0x43: {  	v1 =	vand.u32 $0x7F, v2;
	v3 =	vor.u32 v3, v4  }
0x44: {  	s17 =	sadd.s32 $0x10, s17;
	v2 =	vshrl.u32 v0, $0x4;
	v1 =	vor.u32 v1, v3  }
.Ltmp4:
0x45: {  	_ = 	snop;
	(pc) =	sbr.rel .LBB2_4-.Ltmp4, $1  }
0x46: {  	_ =	sdelay $0x3  }
.LBB2_6:
0x47: {  	_ =	sfence.sel $0x180000  }
0x48: {  	s2 =	simm.s32 $0x2;
	[bflag:$0x0] =	sbarrier.arrive $0xFFFF  }
0x49: {  	s30 =	simm.s32 $0x3;
	[sflag:s2] =	ssyncpa.u1 $0x1  }
0x4a: {  	s31 =	simm.s32 $0x1;
	[sflag:s30] =	ssyncpa.u1 $0x1  }
0x4b: {  	[sflag:s31] =	ssyncpa.u1 $0x1  }
0x4c: {  	p0 =	sne.s32 s1, $0x0;
	_ =	strace $0x9000004A  }
0x4d: {  	s0 =	sadd.s32 @!p0 $0x100000, s0;
	[bflag:$0x2] =	sbarrier.arrive $0xFFFF  }
0x4e: {  	[sflag:s0] =	ssyncadd.tile.s32 @!p0 $0x1;
	_ =	shalt  }
.Lfunc_end2:
_tile_overlayer_lowered:
.L_overlay_start_2:
0x4f: {  	(tag) =	ssettag $0x2  }
0x50: {  	s0 =	rddreg [dreg:$0x0];
	s2 =	stileid.u32  }
0x51: {  	s1 =	rddreg [dreg:$0x1];
	p0 =	sne.s32 s2, $0x0  }
0x52: {  	s3 =	rddreg [dreg:$0x2];
	[bflag:$0x3] =	sbarrier.arrive $0xFFFF;
	s2 =	simm.s32 @!p0 $0x1C01  }
0x53: {  	[timem:s3], [sflag:s2] =	dma.local @!p0 [hbm:s0], s1  }
0x54: {  	s0 =	simm.s32 @!p0 $0x1  }
0x55: {  	_ =	swait.ge @!p0 [sflag:s0], s1  }
0x56: {  	s1 =	ssub.s32 @!p0 $0x0, s1;
	[sflag:s0] =	ssyncset.done @!p0 $0x0  }
0x57: {  	[sflag:s0] =	ssyncadd.s32 @!p0 s1  }
0x58: {  	[bflag:$0x3] =	sbarrier.arrive $0xFFFF  }
0x59: {  	_ =	shalt  }

// kernel: kernel.5.cloned.1.call-start
scs
__scs_entry_jumppad:
0x0: {  	(pc) =	sbr.rel $0x88, $3  }
0x1: {  	(tag) =	ssettag $0x0;
	lr =	simm.s32 $0x1  }
0x2: {  	[smem:$0x3F9E] =	sst lr;
	_ =	strace $0xD0000000  }
0x3: {  	_ = 	snop  }
0x4: {  	_ = 	snop  }
0x5: {  	_ = 	snop  }
0x6: {  	_ = 	snop  }
0x7: {  	_ = 	snop  }
__scs_overlays_trampoline_lowered:
0x8: {  	[smem:$0x3FAD] =	sst s0  }
0x9: {  	[smem:$0x3FAE] =	sst s1  }
0xa: {  	[smem:$0x3FAF] =	sst s2  }
0xb: {  	[smem:$0x3FB0] =	sst s3  }
0xc: {  	[smem:$0x3FB1] =	sst s4  }
0xd: {  	[smem:$0x3FB2] =	sst s5  }
0xe: {  	[smem:$0x3FB3] =	sst s6  }
0xf: {  	[smem:$0x3FB4] =	sst s7  }
0x10: {  	[smem:$0x3FB5] =	sst s8  }
0x11: {  	[smem:$0x3FB6] =	sst s9;
	s0 =	simm.s32 @!p0 $0x0  }
0x12: {  	s1 =	sld [smem:$0x3F9C];
	s0 =	simm.s32 @p0 $0x1  }
0x13: {  	[smem:$0x3FB7] =	sst s0;
	s0 =	simm.s32 @!p1 $0x0  }
0x14: {  	s2 =	sld [smem:$0x3F9B];
	s0 =	simm.s32 @p1 $0x1  }
0x15: {  	[smem:$0x3FB8] =	sst s0;
	s0 =	simm.s32 @!p2 $0x0  }
0x16: {  	s3 =	sld [smem:$0x3FDB];
	s0 =	simm.s32 @p2 $0x1  }
0x17: {  	s4 =	simm.s32 $0x1BF5;
	[smem:$0x3FBA] =	sst s0  }
0x18: {  	s0 =	sld [smem:$0x3F9D];
	_ =	swait.ge [sflag:s4], $0x0  }
0x19: {  	s7 =	sld [smem:$0x3F9E]  }
0x1a: {  	s8 =	sadd.s32 $0xFFFFE003, lr  }
0x1b: {  	s9 =	sadd.s32 $0xFFFFFEF7, lr;
	s5 =	simm.s32 $0xFFFFFFFF;
	p2 =	slt.u32 s8, $0xFFFFF086  }
0x1c: {  	p1 =	slt.u32 s9, $0xF7A;
	s5 =	simm.s32 @!p2 $0x0  }
0x1d: {  	s5 =	simm.s32 @p1 $0x1;
	p0 =	seq.s32 s7, s2  }
0x1e: {  	s7 =	smul.u32 @!p0 $0xF7A, s2;
	p2 =	seq.s32 @!p0 s5, $0x0  }
0x1f: {  	s9 =	smul.u32 $0xF7A, s1;
	s8 =	simm.s32 @!p0 $0x1BF5;
	p2 =	por !p2, p0  }
0x20: {  	[sflag:s8] =	ssyncset.s32 @!p0 $0xFFFFF086;
	s6 =	sadd.s32 @!p0 s3, s7;
	s7 =	simm.s32 @!p0 $0x108  }
0x21: {  	s3 =	sadd.s32 s3, s9;
	s6 =	sadd.s32 @!p0 $0x88, s6;
	s7 =	simm.s32 @p2 $0x1082  }
0x22: {  	[simem:s7], [sflag:s8] =	dma.local @!p0 [hbm:s6], $0xF7A  }
0x23: {  	s9 =	sor.u32 $0xD0000000, s2;
	s6 =	simm.s32 $0x108;
	_ =	swait.ge @!p0 [sflag:s8], $0x0  }
0x24: {  	s3 =	sadd.s32 $0x88, s3;
	s6 =	simm.s32 @!p1 $0x1082;
	[sflag:s4] =	ssyncset.s32 $0xFFFFF086  }
0x25: {  	[simem:s6], [sflag:s4] =	dma.local [hbm:s3], $0xF7A  }
0x26: {  	[smem:$0x3F9E] =	sst s1;
	(tag) =	ssettag s2;
	_ =	strace s9  }
0x27: {  	s1 =	sld [smem:$0x3FAE]  }
0x28: {  	s2 =	sld [smem:$0x3FAF]  }
0x29: {  	s4 =	sld [smem:$0x3FB1]  }
0x2a: {  	p0 =	seq.s32 s5, $0x0;
	s5 =	sld [smem:$0x3FB2]  }
0x2b: {  	s6 =	sld [smem:$0x3FB3]  }
0x2c: {  	s7 =	sld [smem:$0x3FB4]  }
0x2d: {  	s3 =	simm.s32 $0x108;
	s8 =	sld [smem:$0x3FB5]  }
0x2e: {  	s3 =	simm.s32 @!p0 $0x1082;
	s9 =	sld [smem:$0x3FB6]  }
0x2f: {  	lr =	sadd.s32 s0, s3;
	s0 =	sld [smem:$0x3FAD]  }
0x30: {  	s3 =	sld [smem:$0x3FB0]  }
0x31: {  	[smem:$0x3FB9] =	sst s10  }
0x32: {  	s10 =	sld [smem:$0x3FB7];
	_ =	sdelay $0x3  }
0x33: {  	p0 =	seq.s32 s10, $0x1;
	s10 =	sld [smem:$0x3FB9];
	_ =	sdelay $0x3  }
0x34: {  	[smem:$0x3FB9] =	sst s10  }
0x35: {  	s10 =	sld [smem:$0x3FB8];
	_ =	sdelay $0x3  }
0x36: {  	p1 =	seq.s32 s10, $0x1;
	s10 =	sld [smem:$0x3FB9];
	_ =	sdelay $0x3  }
0x37: {  	[smem:$0x3FB9] =	sst s10  }
0x38: {  	s10 =	sld [smem:$0x3FBA]  }
0x39: {  	_ = 	snop;
	(pc) =	sbr.ind lr, $3  }
0x3a: {  	_ = 	snop  }
0x3b: {  	_ = 	snop  }
0x3c: {  	p2 =	seq.s32 s10, $0x1;
	s10 =	sld [smem:$0x3FB9]  }
0x3d: {  	_ =	shalt  }
0x3e: {  	_ =	shalt  }
0x3f: {  	_ =	shalt  }
0x40: {  	_ =	shalt  }
0x41: {  	_ =	shalt  }
0x42: {  	_ =	shalt  }
0x43: {  	_ =	shalt  }
0x44: {  	_ =	shalt  }
0x45: {  	_ =	shalt  }
0x46: {  	_ =	shalt  }
0x47: {  	_ =	shalt  }
0x48: {  	_ =	shalt  }
0x49: {  	_ =	shalt  }
0x4a: {  	_ =	shalt  }
0x4b: {  	_ =	shalt  }
0x4c: {  	_ =	shalt  }
0x4d: {  	_ =	shalt  }
0x4e: {  	_ =	shalt  }
0x4f: {  	_ =	shalt  }
0x50: {  	_ =	shalt  }
0x51: {  	_ =	shalt  }
0x52: {  	_ =	shalt  }
0x53: {  	_ =	shalt  }
0x54: {  	_ =	shalt  }
0x55: {  	_ =	shalt  }
0x56: {  	_ =	shalt  }
0x57: {  	_ =	shalt  }
0x58: {  	_ =	shalt  }
0x59: {  	_ =	shalt  }
0x5a: {  	_ =	shalt  }
0x5b: {  	_ =	shalt  }
0x5c: {  	_ =	shalt  }
0x5d: {  	_ =	shalt  }
0x5e: {  	_ =	shalt  }
0x5f: {  	_ =	shalt  }
0x60: {  	_ =	shalt  }
0x61: {  	_ =	shalt  }
0x62: {  	_ =	shalt  }
0x63: {  	_ =	shalt  }
0x64: {  	_ =	shalt  }
0x65: {  	_ =	shalt  }
0x66: {  	_ =	shalt  }
0x67: {  	_ =	shalt  }
0x68: {  	_ =	shalt  }
0x69: {  	_ =	shalt  }
0x6a: {  	_ =	shalt  }
0x6b: {  	_ =	shalt  }
0x6c: {  	_ =	shalt  }
0x6d: {  	_ =	shalt  }
0x6e: {  	_ =	shalt  }
0x6f: {  	_ =	shalt  }
0x70: {  	_ =	shalt  }
0x71: {  	_ =	shalt  }
0x72: {  	_ =	shalt  }
0x73: {  	_ =	shalt  }
0x74: {  	_ =	shalt  }
0x75: {  	_ =	shalt  }
0x76: {  	_ =	shalt  }
0x77: {  	_ =	shalt  }
0x78: {  	_ =	shalt  }
0x79: {  	_ =	shalt  }
0x7a: {  	_ =	shalt  }
0x7b: {  	_ =	shalt  }
0x7c: {  	_ =	shalt  }
0x7d: {  	_ =	shalt  }
0x7e: {  	_ =	shalt  }
0x7f: {  	_ =	shalt  }
0x80: {  	_ =	shalt  }
0x81: {  	_ =	shalt  }
0x82: {  	_ =	shalt  }
0x83: {  	_ =	shalt  }
0x84: {  	_ =	shalt  }
0x85: {  	_ =	shalt  }
0x86: {  	_ =	shalt  }
0x87: {  	_ =	shalt  }
.Lfunc_end0:
.L_simem_size_0:
called_computation.1_lowered:
.L_overlay_start_0:
0x88: {  	s2 =	sld [smem:$0x3FD9]  }
0x89: {  	s3 =	sld [smem:$0x3FFE];
	_ =	sdelay $0x1  }
0x8a: {  	s1 =	srdreg.scid  }
0x8b: {  	s0 =	sand.u32 $0x1, s1  }
0x8c: {  	s17 =	sshll.u32 s0, $0xA;
	s2 =	sadd.s32 s3, s2  }
0x8d: {  	s2 =	sadd.s32 s2, s17  }
0x8e: {  	[smem:$0x3FC5] =	sst s2  }
0x8f: {  	_ = 	snop  }
0x90: {  	s2 =	sld [smem:$0x3FC9]  }
0x91: {  	s18 =	sld [smem:$0x3FC8];
	(tm) =	ssettm $0x1  }
0x92: {  	s4 =	sld [smem:$0x3FFB];
	_ =	sdelay $0x3  }
0x93: {  	_ =	strace s4  }
0x94: {  	s4 =	sld [smem:$0x3FFC];
	_ =	sdelay $0x3  }
0x95: {  	_ =	strace s4  }
0x96: {  	s4 =	sld [smem:$0x3FFD];
	_ =	sdelay $0x3  }
0x97: {  	_ =	strace s4  }
0x98: {  	_ =	strace $0x8FFFFFFF  }
0x99: {  	s19 =	sld [smem:$0x3FDB];
	_ =	sdelay $0x1  }
0x9a: {  	s5 =	simm.s32 $_scs_section_size  }
0x9b: {  	s6 =	simm.s32 $_size__tile_overlayer_lowered;
	s7 =	simm.s32 $_tile_overlayer_lowered  }
0x9c: {  	s22 =	simm.s32 $0x1BFF;
	s21 =	sshll.u32 s7, $0x1;
	s4 =	sadd.s32 s5, s19  }
0x9d: {  	s8 =	simm.s32 $0x0;
	s20 =	sshll.u32 s6, $0x1;
	s6 =	sadd.s32 s21, s4  }
0x9e: {  	[timem:s8], [sflag:s22] =	dma.local [hbm:s6], s20  }
0x9f: {  	_ =	swait.ge [sflag:s22], s20  }
0xa0: {  	s5 =	ssub.s32 $0x0, s20;
	[sflag:s22] =	ssyncset.done $0x0  }
0xa1: {  	[sflag:s22] =	ssyncadd.s32 s5;
	_ =	sdelay $0x1  }
0xa2: {  	s23 =	simm.s32 $0x1B8B  }
0xa3: {  	_ =	swait.ge [sflag:s23], $0x1  }
0xa4: {  	[sflag:s23] =	ssyncset.done $0x0  }
0xa5: {  	s25 =	simm.s32 $0x1B8E;
	s24 =	sld [smem:$0x3FFE];
	[sflag:s23] =	ssyncadd.s32 $0xFFFFFFFF  }
0xa6: {  	s26 =	simm.s32 $execute0_lowered;
	[smem:$0x3FD2] =	sst s25  }
0xa7: {  	s6 =	sshll.u32 s26, $0x1;
	_ =	strace $0x80000046;
	[dreg:$0x1] =	wrdreg $0xFFFFFFFF  }
0xa8: {  	s28 =	simm.s32 $_size_execute0_lowered;
	s4 =	sadd.s32 s4, s6;
	[dreg:$0x0] =	wrdreg $0x0  }
0xa9: {  	s6 =	sshll.u32 s28, $0x1;
	[dreg:$0x2] =	wrdreg s4  }
0xaa: {  	[dreg:$0x3] =	wrdreg s6  }
0xab: {  	[dreg:$0x4] =	wrdreg $0xC0  }
0xac: {  	_ =	task [dreg:s8], $0x5FFFF  }
0xad: {  	[dreg:$0x1] =	wrdreg $0xFFFFFFFF  }
0xae: {  	[dreg:$0x0] =	wrdreg $0x60  }
0xaf: {  	[dreg:$0x2] =	wrdreg s24  }
0xb0: {  	[dreg:$0x3] =	wrdreg s2  }
0xb1: {  	[dreg:$0x4] =	wrdreg s18  }
0xb2: {  	[dreg:$0x5] =	wrdreg $0x9  }
0xb3: {  	_ =	task.clear_ibuf [dreg:s8], $0x6FFFF;
	_ =	strace $0x90000046  }
0xb4: {  	s29 =	simm.s32 $0x9;
	_ =	strace $0x80000048  }
0xb5: {  	_ =	swait.ge [sflag:s29], $0x1  }
0xb6: {  	[sflag:s29] =	ssyncadd.s32 $0xFFFFFFFF  }
0xb7: {  	_ =	strace $0x90000048  }
0xb8: {  	_ =	sfence  }
0xb9: {  	s30 =	sld [smem:$0x0];
	_ =	sdelay $0x2  }
0xba: {  	s31 =	sshll.u32 s1, $0xD;
	s1 =	sshrl.u32 s1, $0x2  }
0xbb: {  	s3 =	sand.u32 $0x4000, s31;
	s1 =	sadd.s32 s1, s30  }
0xbc: {  	s0 =	sor.u32 s3, s0;
	s1 =	sshll.u32 s1, $0x11  }
0xbd: {  	s0 =	sor.u32 s1, s0  }
0xbe: {  	s0 =	sadd.s32 $0x8F2B, s0  }
0xbf: {  	[sflag:s0] =	ssyncadd.remote.s32 $0x1  }
0xc0: {  	_ =	sfence.sel $0xFFFF  }
0xc1: {  	[dreg:$0x0] =	wrdreg $0xFFFFFFFF;
	(pc) =	sbr.abs _section_cstart, $3  }
0xc2: {  	[dreg:$0x1] =	wrdreg $0xFFFFFFFF  }
0xc3: {  	_ =	task.clear_ibuf [dreg:s8], $0x2FFFF;
	_ =	strace $0x9FFFFFFF  }
0xc4: {  	(tm) =	ssettm $0x7FFFFFFF  }
0xc5: {  	_ =	shalt  }
tec
execute0_lowered:
.L_overlay_start_1:
0x0: {  	(tag) =	ssettag $0x1  }
0x1: {  	s0 =	rddreg [dreg:$0x0]  }
0x2: {  	s1 =	rddreg [dreg:$0x1]  }
0x3: {  	s3 =	rddreg [dreg:$0x2];
	s2 =	srdreg.scid  }
0x4: {  	s4 =	simm.s32 $0x0;
	s14 =	stileid.u32;
	s16 =	simm.s32 $0x9  }
0x5: {  	s17 =	simm.s32 $0x80;
	s18 =	simm.s32 $0x100;
	s19 =	simm.s32 $0x8100  }
0x6: {  	s20 =	simm.s32 $0x4100;
	s21 =	simm.s32 $0xC100;
	s28 =	simm.s32 $0x7  }
0x7: {  	s29 =	simm.s32 $0x6;
	s30 =	simm.s32 $0x8;
	s31 =	simm.s32 $0x0  }
0x8: {  	s2 =	sand.u32 $0x1, s2;
	[smem:$0x7FF] =	sst s4;
	s5 =	sshll.u32 s14, $0xF  }
0x9: {  	s13 =	sadd.s32 $0x10000, s0;
	s12 =	sadd.s32 $0x810000, s0;
	s14 =	sshll.u32 s14, $0x13  }
0xa: {  	s6 =	sshll.u32 s2, $0xE;
	_ =	strace $0x80000047;
	s7 =	ssub.s32 $0x2, s2  }
0xb: {  	s2 =	sshll.u32 s2, $0x12;
	s6 =	sor.u32 s6, s5;
	s8 =	sshrl.u32 s7, $0x1  }
0xc: {  	s5 =	sshrl.u32 s6, $0x3;
	s9 =	sshll.u32 s6, $0x4;
	s11 =	ssub.s32 s7, s8  }
0xd: {  	s15 =	sor.u32 $0x180, s6;
	s6 =	sor.u32 $0x100, s6;
	s5 =	sadd.s32 s0, s5  }
0xe: {  	s23 =	sor.u32 $0x3F000, s9;
	s10 =	sor.u32 $0x3F800, s9;
	s11 =	smax.u32 s11, $0x1  }
0xf: {  	s26 =	sshrl.u32 s15, $0x3;
	s6 =	sshrl.u32 s6, $0x3;
	s22 =	sadd.s32 $0x10, s5  }
0x10: {  	s24 =	sadd.s32 s13, s23;
	s25 =	sadd.s32 s12, s23;
	s9 =	sadd.s32 s13, s10  }
0x11: {  	s10 =	sadd.s32 s12, s10;
	s12 =	sadd.s32 s14, s12;
	s13 =	sadd.s32 s14, s13  }
0x12: {  	s14 =	sadd.s32 s26, s0;
	s15 =	sadd.s32 s6, s0;
	[dreg:$0x4] =	wrdreg s22  }
0x13: {  	s23 =	simm.s32 $0x3;
	s26 =	simm.s32 $0x5;
	[dreg:$0x5] =	wrdreg s24  }
0x14: {  	[dreg:$0x6] =	wrdreg s25;
	s12 =	sadd.s32 s2, s12;
	s13 =	sadd.s32 s2, s13  }
0x15: {  	s22 =	simm.s32 $0x1;
	s24 =	simm.s32 $0x2;
	s25 =	simm.s32 $0x4  }
.LBB2_1:
0x16: {  	[tilespmem:s4], [sflag:$0x9] =	stream.linear.gather [hbm4b:s5+s4], $0x80, $0x38;
	[tilespmem:$0x10100] =	vst v63  }
0x17: {  	_ =	swait.ge [sflag:s16], $0x80  }
0x18: {  	[sflag:s16] =	ssyncset.done $0x0  }
0x19: {  	[sflag:s16] =	ssyncadd.s32 $0xFFFFFF80  }
0x1a: {  	[tilespmem:s18], [sflag:$0x1] =	stream.indirect.gather [hbm4b:s1+s17], $0x80, s4, s17, $0xb8;
	[tilespmem:$0x10100] =	vst v63  }
0x1b: {  	_ = 	snop  }
0x1c: {  	[tilespmem:s19], [sflag:$0x3] =	stream.indirect.gather [hbm4b:s3+s17], $0x80, s4, s17, $0xb8;
	[tilespmem:$0x10100] =	vst v63  }
0x1d: {  	s0 =	rddreg [dreg:$0x4]  }
0x1e: {  	[tilespmem:s17], [sflag:$0x9] =	stream.linear.gather [hbm4b:s0+s4], $0x80, $0x38;
	[tilespmem:$0x10100] =	vst v63  }
0x1f: {  	_ =	swait.ge [sflag:s16], $0x80  }
0x20: {  	[sflag:s16] =	ssyncset.done $0x0  }
0x21: {  	[sflag:s16] =	ssyncadd.s32 $0xFFFFFF80  }
0x22: {  	[tilespmem:s20], [sflag:$0x2] =	stream.indirect.gather [hbm4b:s1+s17], $0x80, s17, s17, $0xb8;
	[tilespmem:$0x10100] =	vst v63  }
0x23: {  	_ = 	snop  }
0x24: {  	[tilespmem:s21], [sflag:$0x4] =	stream.indirect.gather [hbm4b:s3+s17], $0x80, s17, s17, $0xb8;
	[tilespmem:$0x10100] =	vst v63  }
0x25: {  	_ =	swait.ge [sflag:s22], $0x4000  }
0x26: {  	[sflag:s22] =	ssyncset.done $0x0  }
0x27: {  	[sflag:s22] =	ssyncadd.s32 $0xFFFFC000  }
0x28: {  	_ =	swait.ge [sflag:s23], $0x4000  }
0x29: {  	[sflag:s23] =	ssyncset.done $0x0  }
0x2a: {  	s7 =	sadd.s32 $0x0, s13;
	[sflag:s23] =	ssyncadd.s32 $0xFFFFC000  }
0x2b: {  	[hbm4b:s7+s4] =	stream.linear.scatter [tilespmem:s18], [sflag:$0x5], $0x4000, $0x38;
	[tilespmem:$0x10100] =	vst v63  }
0x2c: {  	s2 =	sadd.s32 $0x0, s12  }
0x2d: {  	[hbm4b:s2+s4] =	stream.linear.scatter [tilespmem:s19], [sflag:$0x7], $0x4000, $0x38;
	[tilespmem:$0x10100] =	vst v63  }
0x2e: {  	_ =	swait.ge [sflag:s24], $0x4000  }
0x2f: {  	[sflag:s24] =	ssyncset.done $0x0  }
0x30: {  	[sflag:s24] =	ssyncadd.s32 $0xFFFFC000  }
0x31: {  	_ =	swait.ge [sflag:s25], $0x4000  }
0x32: {  	[sflag:s25] =	ssyncset.done $0x0  }
0x33: {  	s0 =	sadd.s32 $0x800, s7;
	[sflag:s25] =	ssyncadd.s32 $0xFFFFC000  }
0x34: {  	[hbm4b:s0+s4] =	stream.linear.scatter [tilespmem:s20], [sflag:$0x6], $0x4000, $0x38;
	[tilespmem:$0x10100] =	vst v63  }
0x35: {  	s8 =	sadd.s32 $0x800, s2  }
0x36: {  	[hbm4b:s8+s4] =	stream.linear.scatter [tilespmem:s21], [sflag:$0x8], $0x4000, $0x38;
	[tilespmem:$0x10100] =	vst v63  }
0x37: {  	_ =	swait.ge [sflag:s26], $0x4000  }
0x38: {  	[sflag:s26] =	ssyncset.done $0x0  }
0x39: {  	[sflag:s26] =	ssyncadd.s32 $0xFFFFC000  }
0x3a: {  	_ =	swait.ge [sflag:s28], $0x4000  }
0x3b: {  	[sflag:s28] =	ssyncset.done $0x0  }
0x3c: {  	[sflag:s28] =	ssyncadd.s32 $0xFFFFC000  }
0x3d: {  	[tilespmem:s4], [sflag:$0x9] =	stream.linear.gather [hbm4b:s15+s4], $0x80, $0x38;
	[tilespmem:$0x10100] =	vst v63  }
0x3e: {  	_ =	swait.ge [sflag:s16], $0x80  }
0x3f: {  	[sflag:s16] =	ssyncset.done $0x0  }
0x40: {  	[sflag:s16] =	ssyncadd.s32 $0xFFFFFF80  }
0x41: {  	[tilespmem:s18], [sflag:$0x1] =	stream.indirect.gather [hbm4b:s1+s17], $0x80, s4, s17, $0xb8;
	[tilespmem:$0x10100] =	vst v63  }
0x42: {  	_ = 	snop  }
0x43: {  	[tilespmem:s19], [sflag:$0x3] =	stream.indirect.gather [hbm4b:s3+s17], $0x80, s4, s17, $0xb8;
	[tilespmem:$0x10100] =	vst v63  }
0x44: {  	_ =	swait.ge [sflag:s29], $0x4000  }
0x45: {  	[sflag:s29] =	ssyncset.done $0x0  }
0x46: {  	[sflag:s29] =	ssyncadd.s32 $0xFFFFC000  }
0x47: {  	_ =	swait.ge [sflag:s30], $0x4000  }
0x48: {  	[sflag:s30] =	ssyncset.done $0x0  }
0x49: {  	[sflag:s30] =	ssyncadd.s32 $0xFFFFC000  }
0x4a: {  	[tilespmem:s17], [sflag:$0x9] =	stream.linear.gather [hbm4b:s14+s4], $0x80, $0x38;
	[tilespmem:$0x10100] =	vst v63  }
0x4b: {  	_ =	swait.ge [sflag:s16], $0x80  }
0x4c: {  	s6 =	sadd.s32 $0x20, s15;
	[sflag:s16] =	ssyncset.done $0x0  }
0x4d: {  	s2 =	sadd.s32 $0x20, s14;
	s0 =	simm.s32 $0x1000;
	[sflag:s16] =	ssyncadd.s32 $0xFFFFFF80  }
0x4e: {  	[tilespmem:s20], [sflag:$0x2] =	stream.indirect.gather [hbm4b:s1+s17], $0x80, s17, s17, $0xb8;
	[tilespmem:$0x10100] =	vst v63  }
.LBB2_2:
0x4f: {  	[tilespmem:s21], [sflag:$0x4] =	stream.indirect.gather [hbm4b:s3+s17], $0x80, s17, s17, $0xb8;
	[tilespmem:$0x10100] =	vst v63  }
0x50: {  	s7 =	smov.u32 s0  }
0x51: {  	p0 =	sne.s32 s0, $0x3E000;
	s0 =	sadd.s32 $0x1000, s0;
	_ =	swait.ge [sflag:s22], $0x4000  }
0x52: {  	[sflag:s22] =	ssyncset.done $0x0  }
0x53: {  	[sflag:s22] =	ssyncadd.s32 $0xFFFFC000  }
0x54: {  	_ =	swait.ge [sflag:s23], $0x4000  }
0x55: {  	[sflag:s23] =	ssyncset.done $0x0  }
0x56: {  	s8 =	sadd.s32 s7, s13;
	[sflag:s23] =	ssyncadd.s32 $0xFFFFC000  }
0x57: {  	[hbm4b:s8+s4] =	stream.linear.scatter [tilespmem:s18], [sflag:$0x5], $0x4000, $0x38;
	[tilespmem:$0x10100] =	vst v63  }
0x58: {  	s7 =	sadd.s32 s7, s12  }
0x59: {  	[hbm4b:s7+s4] =	stream.linear.scatter [tilespmem:s19], [sflag:$0x7], $0x4000, $0x38;
	[tilespmem:$0x10100] =	vst v63  }
0x5a: {  	_ =	swait.ge [sflag:s24], $0x4000  }
0x5b: {  	[sflag:s24] =	ssyncset.done $0x0  }
0x5c: {  	[sflag:s24] =	ssyncadd.s32 $0xFFFFC000  }
0x5d: {  	_ =	swait.ge [sflag:s25], $0x4000  }
0x5e: {  	[sflag:s25] =	ssyncset.done $0x0  }
0x5f: {  	s8 =	sadd.s32 $0x800, s8;
	[sflag:s25] =	ssyncadd.s32 $0xFFFFC000  }
0x60: {  	[hbm4b:s8+s4] =	stream.linear.scatter [tilespmem:s20], [sflag:$0x6], $0x4000, $0x38;
	[tilespmem:$0x10100] =	vst v63  }
0x61: {  	s7 =	sadd.s32 $0x800, s7  }
0x62: {  	[hbm4b:s7+s4] =	stream.linear.scatter [tilespmem:s21], [sflag:$0x8], $0x4000, $0x38;
	[tilespmem:$0x10100] =	vst v63  }
0x63: {  	_ =	swait.ge [sflag:s26], $0x4000  }
0x64: {  	[sflag:s26] =	ssyncset.done $0x0  }
0x65: {  	[sflag:s26] =	ssyncadd.s32 $0xFFFFC000  }
0x66: {  	_ =	swait.ge [sflag:s28], $0x4000  }
0x67: {  	[sflag:s28] =	ssyncset.done $0x0  }
0x68: {  	[sflag:s28] =	ssyncadd.s32 $0xFFFFC000  }
0x69: {  	[tilespmem:s4], [sflag:$0x9] =	stream.linear.gather [hbm4b:s6+s4], $0x80, $0x38;
	[tilespmem:$0x10100] =	vst v63  }
0x6a: {  	_ =	swait.ge [sflag:s16], $0x80  }
0x6b: {  	[sflag:s16] =	ssyncset.done $0x0  }
0x6c: {  	[sflag:s16] =	ssyncadd.s32 $0xFFFFFF80  }
0x6d: {  	[tilespmem:s18], [sflag:$0x1] =	stream.indirect.gather [hbm4b:s1+s17], $0x80, s4, s17, $0xb8;
	[tilespmem:$0x10100] =	vst v63  }
0x6e: {  	_ = 	snop  }
0x6f: {  	[tilespmem:s19], [sflag:$0x3] =	stream.indirect.gather [hbm4b:s3+s17], $0x80, s4, s17, $0xb8;
	[tilespmem:$0x10100] =	vst v63  }
0x70: {  	_ =	swait.ge [sflag:s29], $0x4000  }
0x71: {  	[sflag:s29] =	ssyncset.done $0x0  }
0x72: {  	[sflag:s29] =	ssyncadd.s32 $0xFFFFC000  }
0x73: {  	_ =	swait.ge [sflag:s30], $0x4000  }
0x74: {  	[sflag:s30] =	ssyncset.done $0x0  }
0x75: {  	[sflag:s30] =	ssyncadd.s32 $0xFFFFC000  }
0x76: {  	[tilespmem:s17], [sflag:$0x9] =	stream.linear.gather [hbm4b:s2+s4], $0x80, $0x38;
	[tilespmem:$0x10100] =	vst v63  }
.Ltmp0:
0x77: {  	_ =	swait.ge [sflag:s16], $0x80;
	(pc) =	sbr.rel @p0 .LBB2_2-.Ltmp0, $4  }
0x78: {  	[sflag:s16] =	ssyncset.done $0x0  }
0x79: {  	[sflag:s16] =	ssyncadd.s32 $0xFFFFFF80  }
0x7a: {  	[tilespmem:s20], [sflag:$0x2] =	stream.indirect.gather [hbm4b:s1+s17], $0x80, s17, s17, $0xb8;
	[tilespmem:$0x10100] =	vst v63  }
0x7b: {  	s6 =	sadd.s32 $0x20, s6;
	s2 =	sadd.s32 $0x20, s2  }
0x7c: {  	[tilespmem:s21], [sflag:$0x4] =	stream.indirect.gather [hbm4b:s3+s17], $0x80, s17, s17, $0xb8;
	[tilespmem:$0x10100] =	vst v63  }
0x7d: {  	_ =	swait.ge [sflag:s22], $0x4000  }
0x7e: {  	[sflag:s22] =	ssyncset.done $0x0  }
0x7f: {  	[sflag:s22] =	ssyncadd.s32 $0xFFFFC000  }
0x80: {  	_ =	swait.ge [sflag:s23], $0x4000  }
0x81: {  	[sflag:s23] =	ssyncset.done $0x0  }
0x82: {  	s0 =	rddreg [dreg:$0x5];
	[sflag:s23] =	ssyncadd.s32 $0xFFFFC000  }
0x83: {  	[hbm4b:s0+s4] =	stream.linear.scatter [tilespmem:s18], [sflag:$0x5], $0x4000, $0x38;
	[tilespmem:$0x10100] =	vst v63  }
0x84: {  	s8 =	rddreg [dreg:$0x6]  }
0x85: {  	[hbm4b:s8+s4] =	stream.linear.scatter [tilespmem:s19], [sflag:$0x7], $0x4000, $0x38;
	[tilespmem:$0x10100] =	vst v63  }
0x86: {  	_ =	swait.ge [sflag:s24], $0x4000  }
0x87: {  	[sflag:s24] =	ssyncset.done $0x0  }
0x88: {  	[sflag:s24] =	ssyncadd.s32 $0xFFFFC000  }
0x89: {  	_ =	swait.ge [sflag:s25], $0x4000  }
0x8a: {  	[sflag:s25] =	ssyncset.done $0x0  }
0x8b: {  	[sflag:s25] =	ssyncadd.s32 $0xFFFFC000  }
0x8c: {  	[hbm4b:s9+s4] =	stream.linear.scatter [tilespmem:s20], [sflag:$0x6], $0x4000, $0x38;
	[tilespmem:$0x10100] =	vst v63  }
0x8d: {  	_ = 	snop  }
0x8e: {  	[hbm4b:s10+s4] =	stream.linear.scatter [tilespmem:s21], [sflag:$0x8], $0x4000, $0x38;
	[tilespmem:$0x10100] =	vst v63  }
0x8f: {  	_ =	swait.ge [sflag:s26], $0x4000  }
0x90: {  	[sflag:s26] =	ssyncset.done $0x0  }
0x91: {  	[sflag:s26] =	ssyncadd.s32 $0xFFFFC000  }
0x92: {  	_ =	swait.ge [sflag:s28], $0x4000  }
0x93: {  	[sflag:s28] =	ssyncset.done $0x0  }
0x94: {  	s31 =	sadd.s32 $0x1, s31;
	[sflag:s28] =	ssyncadd.s32 $0xFFFFC000  }
0x95: {  	p0 =	sne.s32 s31, s11;
	_ =	swait.ge [sflag:s29], $0x4000  }
.Ltmp1:
0x96: {  	[sflag:s29] =	ssyncset.done $0x0;
	(pc) =	sbr.rel @p0 .LBB2_1-.Ltmp1, $4  }
0x97: {  	[sflag:s29] =	ssyncadd.s32 $0xFFFFC000  }
0x98: {  	_ =	swait.ge [sflag:s30], $0x4000  }
0x99: {  	[sflag:s30] =	ssyncset.done $0x0  }
0x9a: {  	[sflag:s30] =	ssyncadd.s32 $0xFFFFC000  }
0x9b: {  	_ =	sfence.sel $0x180000  }
0x9c: {  	[bflag:$0x0] =	sbarrier.arrive $0xFFFF  }
0x9d: {  	_ =	strace $0x90000047  }
0x9e: {  	s0 =	stileid.u32;
	[bflag:$0x2] =	sbarrier.arrive $0xFFFF  }
0x9f: {  	p0 =	sne.s32 s0, $0x0;
	s0 =	rddreg [dreg:$0x3]  }
0xa0: {  	s0 =	sadd.s32 @!p0 $0x100000, s0  }
0xa1: {  	[sflag:s0] =	ssyncadd.tile.s32 @!p0 $0x1;
	_ =	shalt  }
.Lfunc_end2:
_tile_overlayer_lowered:
.L_overlay_start_2:
0xa2: {  	(tag) =	ssettag $0x2  }
0xa3: {  	s0 =	rddreg [dreg:$0x0];
	s2 =	stileid.u32  }
0xa4: {  	s1 =	rddreg [dreg:$0x1];
	p0 =	sne.s32 s2, $0x0  }
0xa5: {  	s3 =	rddreg [dreg:$0x2];
	[bflag:$0x3] =	sbarrier.arrive $0xFFFF;
	s2 =	simm.s32 @!p0 $0x1C09  }
0xa6: {  	[timem:s3], [sflag:s2] =	dma.local @!p0 [hbm:s0], s1  }
0xa7: {  	s0 =	simm.s32 @!p0 $0x9  }
0xa8: {  	_ =	swait.ge @!p0 [sflag:s0], s1  }
0xa9: {  	s1 =	ssub.s32 @!p0 $0x0, s1;
	[sflag:s0] =	ssyncset.done @!p0 $0x0  }
0xaa: {  	[sflag:s0] =	ssyncadd.s32 @!p0 s1  }
0xab: {  	[bflag:$0x3] =	sbarrier.arrive $0xFFFF  }
0xac: {  	_ =	shalt  }

// kernel: kernel.8.cloned.1.call-start
scs
__scs_entry_jumppad:
0x0: {  	(pc) =	sbr.rel $0x88, $3  }
0x1: {  	(tag) =	ssettag $0x0;
	lr =	simm.s32 $0x1  }
0x2: {  	[smem:$0x3F9E] =	sst lr;
	_ =	strace $0xD0000000  }
0x3: {  	_ = 	snop  }
0x4: {  	_ = 	snop  }
0x5: {  	_ = 	snop  }
0x6: {  	_ = 	snop  }
0x7: {  	_ = 	snop  }
__scs_overlays_trampoline_lowered:
0x8: {  	[smem:$0x3FAD] =	sst s0  }
0x9: {  	[smem:$0x3FAE] =	sst s1  }
0xa: {  	[smem:$0x3FAF] =	sst s2  }
0xb: {  	[smem:$0x3FB0] =	sst s3  }
0xc: {  	[smem:$0x3FB1] =	sst s4  }
0xd: {  	[smem:$0x3FB2] =	sst s5  }
0xe: {  	[smem:$0x3FB3] =	sst s6  }
0xf: {  	[smem:$0x3FB4] =	sst s7  }
0x10: {  	[smem:$0x3FB5] =	sst s8  }
0x11: {  	[smem:$0x3FB6] =	sst s9;
	s0 =	simm.s32 @!p0 $0x0  }
0x12: {  	s1 =	sld [smem:$0x3F9C];
	s0 =	simm.s32 @p0 $0x1  }
0x13: {  	[smem:$0x3FB7] =	sst s0;
	s0 =	simm.s32 @!p1 $0x0  }
0x14: {  	s2 =	sld [smem:$0x3F9B];
	s0 =	simm.s32 @p1 $0x1  }
0x15: {  	[smem:$0x3FB8] =	sst s0;
	s0 =	simm.s32 @!p2 $0x0  }
0x16: {  	s3 =	sld [smem:$0x3FDB];
	s0 =	simm.s32 @p2 $0x1  }
0x17: {  	s4 =	simm.s32 $0x1BF5;
	[smem:$0x3FBA] =	sst s0  }
0x18: {  	s0 =	sld [smem:$0x3F9D];
	_ =	swait.ge [sflag:s4], $0x0  }
0x19: {  	s7 =	sld [smem:$0x3F9E]  }
0x1a: {  	s8 =	sadd.s32 $0xFFFFE003, lr  }
0x1b: {  	s9 =	sadd.s32 $0xFFFFFEF7, lr;
	s5 =	simm.s32 $0xFFFFFFFF;
	p2 =	slt.u32 s8, $0xFFFFF086  }
0x1c: {  	p1 =	slt.u32 s9, $0xF7A;
	s5 =	simm.s32 @!p2 $0x0  }
0x1d: {  	s5 =	simm.s32 @p1 $0x1;
	p0 =	seq.s32 s7, s2  }
0x1e: {  	s7 =	smul.u32 @!p0 $0xF7A, s2;
	p2 =	seq.s32 @!p0 s5, $0x0  }
0x1f: {  	s9 =	smul.u32 $0xF7A, s1;
	s8 =	simm.s32 @!p0 $0x1BF5;
	p2 =	por !p2, p0  }
0x20: {  	[sflag:s8] =	ssyncset.s32 @!p0 $0xFFFFF086;
	s6 =	sadd.s32 @!p0 s3, s7;
	s7 =	simm.s32 @!p0 $0x108  }
0x21: {  	s3 =	sadd.s32 s3, s9;
	s6 =	sadd.s32 @!p0 $0x88, s6;
	s7 =	simm.s32 @p2 $0x1082  }
0x22: {  	[simem:s7], [sflag:s8] =	dma.local @!p0 [hbm:s6], $0xF7A  }
0x23: {  	s9 =	sor.u32 $0xD0000000, s2;
	s6 =	simm.s32 $0x108;
	_ =	swait.ge @!p0 [sflag:s8], $0x0  }
0x24: {  	s3 =	sadd.s32 $0x88, s3;
	s6 =	simm.s32 @!p1 $0x1082;
	[sflag:s4] =	ssyncset.s32 $0xFFFFF086  }
0x25: {  	[simem:s6], [sflag:s4] =	dma.local [hbm:s3], $0xF7A  }
0x26: {  	[smem:$0x3F9E] =	sst s1;
	(tag) =	ssettag s2;
	_ =	strace s9  }
0x27: {  	s1 =	sld [smem:$0x3FAE]  }
0x28: {  	s2 =	sld [smem:$0x3FAF]  }
0x29: {  	s4 =	sld [smem:$0x3FB1]  }
0x2a: {  	p0 =	seq.s32 s5, $0x0;
	s5 =	sld [smem:$0x3FB2]  }
0x2b: {  	s6 =	sld [smem:$0x3FB3]  }
0x2c: {  	s7 =	sld [smem:$0x3FB4]  }
0x2d: {  	s3 =	simm.s32 $0x108;
	s8 =	sld [smem:$0x3FB5]  }
0x2e: {  	s3 =	simm.s32 @!p0 $0x1082;
	s9 =	sld [smem:$0x3FB6]  }
0x2f: {  	lr =	sadd.s32 s0, s3;
	s0 =	sld [smem:$0x3FAD]  }
0x30: {  	s3 =	sld [smem:$0x3FB0]  }
0x31: {  	[smem:$0x3FB9] =	sst s10  }
0x32: {  	s10 =	sld [smem:$0x3FB7];
	_ =	sdelay $0x3  }
0x33: {  	p0 =	seq.s32 s10, $0x1;
	s10 =	sld [smem:$0x3FB9];
	_ =	sdelay $0x3  }
0x34: {  	[smem:$0x3FB9] =	sst s10  }
0x35: {  	s10 =	sld [smem:$0x3FB8];
	_ =	sdelay $0x3  }
0x36: {  	p1 =	seq.s32 s10, $0x1;
	s10 =	sld [smem:$0x3FB9];
	_ =	sdelay $0x3  }
0x37: {  	[smem:$0x3FB9] =	sst s10  }
0x38: {  	s10 =	sld [smem:$0x3FBA]  }
0x39: {  	_ = 	snop;
	(pc) =	sbr.ind lr, $3  }
0x3a: {  	_ = 	snop  }
0x3b: {  	_ = 	snop  }
0x3c: {  	p2 =	seq.s32 s10, $0x1;
	s10 =	sld [smem:$0x3FB9]  }
0x3d: {  	_ =	shalt  }
0x3e: {  	_ =	shalt  }
0x3f: {  	_ =	shalt  }
0x40: {  	_ =	shalt  }
0x41: {  	_ =	shalt  }
0x42: {  	_ =	shalt  }
0x43: {  	_ =	shalt  }
0x44: {  	_ =	shalt  }
0x45: {  	_ =	shalt  }
0x46: {  	_ =	shalt  }
0x47: {  	_ =	shalt  }
0x48: {  	_ =	shalt  }
0x49: {  	_ =	shalt  }
0x4a: {  	_ =	shalt  }
0x4b: {  	_ =	shalt  }
0x4c: {  	_ =	shalt  }
0x4d: {  	_ =	shalt  }
0x4e: {  	_ =	shalt  }
0x4f: {  	_ =	shalt  }
0x50: {  	_ =	shalt  }
0x51: {  	_ =	shalt  }
0x52: {  	_ =	shalt  }
0x53: {  	_ =	shalt  }
0x54: {  	_ =	shalt  }
0x55: {  	_ =	shalt  }
0x56: {  	_ =	shalt  }
0x57: {  	_ =	shalt  }
0x58: {  	_ =	shalt  }
0x59: {  	_ =	shalt  }
0x5a: {  	_ =	shalt  }
0x5b: {  	_ =	shalt  }
0x5c: {  	_ =	shalt  }
0x5d: {  	_ =	shalt  }
0x5e: {  	_ =	shalt  }
0x5f: {  	_ =	shalt  }
0x60: {  	_ =	shalt  }
0x61: {  	_ =	shalt  }
0x62: {  	_ =	shalt  }
0x63: {  	_ =	shalt  }
0x64: {  	_ =	shalt  }
0x65: {  	_ =	shalt  }
0x66: {  	_ =	shalt  }
0x67: {  	_ =	shalt  }
0x68: {  	_ =	shalt  }
0x69: {  	_ =	shalt  }
0x6a: {  	_ =	shalt  }
0x6b: {  	_ =	shalt  }
0x6c: {  	_ =	shalt  }
0x6d: {  	_ =	shalt  }
0x6e: {  	_ =	shalt  }
0x6f: {  	_ =	shalt  }
0x70: {  	_ =	shalt  }
0x71: {  	_ =	shalt  }
0x72: {  	_ =	shalt  }
0x73: {  	_ =	shalt  }
0x74: {  	_ =	shalt  }
0x75: {  	_ =	shalt  }
0x76: {  	_ =	shalt  }
0x77: {  	_ =	shalt  }
0x78: {  	_ =	shalt  }
0x79: {  	_ =	shalt  }
0x7a: {  	_ =	shalt  }
0x7b: {  	_ =	shalt  }
0x7c: {  	_ =	shalt  }
0x7d: {  	_ =	shalt  }
0x7e: {  	_ =	shalt  }
0x7f: {  	_ =	shalt  }
0x80: {  	_ =	shalt  }
0x81: {  	_ =	shalt  }
0x82: {  	_ =	shalt  }
0x83: {  	_ =	shalt  }
0x84: {  	_ =	shalt  }
0x85: {  	_ =	shalt  }
0x86: {  	_ =	shalt  }
0x87: {  	_ =	shalt  }
.Lfunc_end0:
.L_simem_size_0:
called_computation.2_lowered:
.L_overlay_start_0:
0x88: {  	s2 =	sld [smem:$0x3FD9]  }
0x89: {  	s3 =	sld [smem:$0x3FFE];
	_ =	sdelay $0x1  }
0x8a: {  	s1 =	srdreg.scid  }
0x8b: {  	s0 =	sand.u32 $0x1, s1  }
0x8c: {  	s17 =	sshll.u32 s0, $0xA;
	s2 =	sadd.s32 s3, s2  }
0x8d: {  	s2 =	sadd.s32 s2, s17  }
0x8e: {  	[smem:$0x3FC5] =	sst s2  }
0x8f: {  	_ = 	snop  }
0x90: {  	s18 =	sld [smem:$0x3FD0];
	(tm) =	ssettm $0x1  }
0x91: {  	s19 =	sld [smem:$0x3FFB];
	_ =	sdelay $0x3  }
0x92: {  	_ =	strace s19  }
0x93: {  	s2 =	sld [smem:$0x3FFC];
	_ =	sdelay $0x3  }
0x94: {  	_ =	strace s2  }
0x95: {  	s2 =	sld [smem:$0x3FFD];
	_ =	sdelay $0x3  }
0x96: {  	_ =	strace s2  }
0x97: {  	_ =	strace $0x8FFFFFFF  }
0x98: {  	s20 =	sld [smem:$0x3FDB];
	_ =	sdelay $0x1  }
0x99: {  	s4 =	simm.s32 $_scs_section_size  }
0x9a: {  	s5 =	simm.s32 $_size__tile_overlayer_lowered;
	s6 =	simm.s32 $_tile_overlayer_lowered  }
0x9b: {  	s7 =	simm.s32 $0x1BFF;
	s21 =	sshll.u32 s6, $0x1;
	s4 =	sadd.s32 s4, s20  }
0x9c: {  	s22 =	simm.s32 $0x0;
	s5 =	sshll.u32 s5, $0x1;
	s6 =	sadd.s32 s21, s4  }
0x9d: {  	[timem:s22], [sflag:s7] =	dma.local [hbm:s6], s5  }
0x9e: {  	_ =	swait.ge [sflag:s7], s5  }
0x9f: {  	s5 =	ssub.s32 $0x0, s5;
	[sflag:s7] =	ssyncset.done $0x0  }
0xa0: {  	[sflag:s7] =	ssyncadd.s32 s5;
	_ =	sdelay $0x1  }
0xa1: {  	s23 =	simm.s32 $0x1B8B  }
0xa2: {  	_ =	swait.ge [sflag:s23], $0x1  }
0xa3: {  	[sflag:s23] =	ssyncset.done $0x0  }
0xa4: {  	[sflag:s23] =	ssyncadd.s32 $0xFFFFFFFF  }
0xa5: {  	s5 =	sld [smem:$0x0]  }
0xa6: {  	s6 =	sand.u32 $0xFFFFFFFE, s1  }
0xa7: {  	p0 =	sne.s32 s1, s6  }
0xa8: {  	s6 =	sshll.u32 @p0 s6, $0xE  }
0xa9: {  	s6 =	sadd.s32 @p0 $0x11B8D, s6;
	s7 =	sshll.u32 @p0 s5, $0x11  }
0xaa: {  	s6 =	sor.u32 @p0 s7, s6  }
0xab: {  	[sflag:s6] =	ssyncadd.remote.s32 @p0 $0x1;
	_ =	sdelay $0x1  }
0xac: {  	s6 =	simm.s32 @p0 $0x1B8D  }
0xad: {  	_ =	swait.eq @p0 [sflag:s6], $0x1  }
0xae: {  	[sflag:s6] =	ssyncadd.s32 @p0 $0xFFFFFFFF  }
0xaf: {  	s7 =	sshll.u32 @!p0 s1, $0xE  }
0xb0: {  	s7 =	sor.u32 @!p0 $0x4000, s7;
	s6 =	simm.s32 @!p0 $0x1B8D  }
0xb1: {  	s5 =	sshll.u32 @!p0 s5, $0x11;
	s7 =	sadd.s32 @!p0 $0x11B8D, s7;
	_ =	swait.eq @!p0 [sflag:s6], $0x1  }
0xb2: {  	s5 =	sor.u32 @!p0 s5, s7;
	[sflag:s6] =	ssyncadd.s32 @!p0 $0xFFFFFFFF  }
0xb3: {  	s25 =	simm.s32 $0x1B8E;
	s24 =	sld [smem:$0x3FFE];
	[sflag:s5] =	ssyncadd.remote.s32 @!p0 $0x1  }
0xb4: {  	s26 =	simm.s32 $execute0_lowered;
	[smem:$0x3FD2] =	sst s25  }
0xb5: {  	s6 =	sshll.u32 s26, $0x1;
	_ =	strace $0x8000004C;
	[dreg:$0x1] =	wrdreg $0xFFFFFFFF  }
0xb6: {  	s28 =	simm.s32 $_size_execute0_lowered;
	s4 =	sadd.s32 s4, s6;
	[dreg:$0x0] =	wrdreg $0x0  }
0xb7: {  	s6 =	sshll.u32 s28, $0x1;
	[dreg:$0x2] =	wrdreg s4  }
0xb8: {  	[dreg:$0x3] =	wrdreg s6  }
0xb9: {  	[dreg:$0x4] =	wrdreg $0xC0  }
0xba: {  	_ =	task [dreg:s22], $0x5FFFF  }
0xbb: {  	[dreg:$0x1] =	wrdreg $0xFFFFFFFF  }
0xbc: {  	[dreg:$0x0] =	wrdreg $0x60  }
0xbd: {  	[dreg:$0x2] =	wrdreg s18  }
0xbe: {  	[dreg:$0x3] =	wrdreg s24  }
0xbf: {  	[dreg:$0x4] =	wrdreg $0xA  }
0xc0: {  	_ =	task.clear_ibuf [dreg:s22], $0x5FFFF;
	_ =	strace $0x9000004C  }
0xc1: {  	s29 =	simm.s32 $0xA;
	_ =	strace $0x8000004E  }
0xc2: {  	_ =	swait.ge [sflag:s29], $0x1  }
0xc3: {  	[sflag:s29] =	ssyncadd.s32 $0xFFFFFFFF  }
0xc4: {  	_ =	strace $0x9000004E  }
0xc5: {  	_ =	sfence  }
0xc6: {  	s30 =	sld [smem:$0x0];
	_ =	sdelay $0x2  }
0xc7: {  	s31 =	sshll.u32 s1, $0xD;
	s1 =	sshrl.u32 s1, $0x2  }
0xc8: {  	s4 =	sand.u32 $0x4000, s31;
	s1 =	sadd.s32 s1, s30  }
0xc9: {  	s0 =	sor.u32 s4, s0;
	s1 =	sshll.u32 s1, $0x11  }
0xca: {  	s0 =	sor.u32 s1, s0  }
0xcb: {  	s0 =	sadd.s32 $0x8F2B, s0  }
0xcc: {  	[sflag:s0] =	ssyncadd.remote.s32 $0x1  }
0xcd: {  	_ =	sfence.sel $0xFFFF  }
0xce: {  	[dreg:$0x0] =	wrdreg $0xFFFFFFFF;
	(pc) =	sbr.abs _section_cstart, $3  }
0xcf: {  	[dreg:$0x1] =	wrdreg $0xFFFFFFFF  }
0xd0: {  	_ =	task.clear_ibuf [dreg:s22], $0x2FFFF;
	_ =	strace $0x9FFFFFFF  }
0xd1: {  	(tm) =	ssettm $0x7FFFFFFF  }
tec
execute0_lowered:
.L_overlay_start_1:
0x0: {  	(tag) =	ssettag $0x1  }
0x1: {  	s11 =	rddreg [dreg:$0x0]  }
0x2: {  	s4 =	rddreg [dreg:$0x1]  }
0x3: {  	s0 =	rddreg [dreg:$0x2];
	s2 =	simm.s32 $0x0;
	s3 =	srdreg.scid  }
0x4: {  	s1 =	stileid.u32;
	s14 =	simm.s32 $0x100;
	s15 =	simm.s32 $0x4100  }
0x5: {  	s16 =	simm.s32 $0x1;
	s17 =	simm.s32 $0x2;
	s18 =	simm.s32 $0x3  }
0x6: {  	s19 =	simm.s32 $0x4;
	s20 =	simm.s32 $0x0;
	[smem:$0x7FF] =	sst s2  }
0x7: {  	s9 =	sand.u32 $0x1, s3;
	s5 =	sshll.u32 s1, $0xF;
	s3 =	sadd.s32 $0x2030000, s4  }
0x8: {  	s10 =	sadd.s32 $0x1830000, s4;
	s30 =	sshll.u32 s1, $0x13;
	s6 =	sshll.u32 s9, $0xE  }
0x9: {  	_ =	strace $0x8000004D;
	s28 =	ssub.s32 $0x2, s9;
	s12 =	sor.u32 s6, s5  }
0xa: {  	s9 =	sshll.u32 s9, $0x12;
	s7 =	sshrl.u32 s28, $0x1;
	s29 =	sshrl.u32 s12, $0x3  }
0xb: {  	s6 =	sshll.u32 s12, $0x4;
	s13 =	ssub.s32 s28, s7;
	s31 =	sor.u32 $0x180, s12  }
0xc: {  	s12 =	sor.u32 $0x100, s12;
	s4 =	sadd.s32 s11, s29;
	s8 =	sadd.s32 s6, s10  }
0xd: {  	s10 =	sadd.s32 s30, s10;
	s12 =	sshrl.u32 s12, $0x3;
	s6 =	sadd.s32 $0x3F000, s8  }
0xe: {  	s7 =	sadd.s32 $0x3F800, s8;
	s8 =	smax.u32 s13, $0x1;
	s13 =	sshrl.u32 s31, $0x3  }
0xf: {  	s5 =	sadd.s32 $0x10, s4;
	s9 =	sadd.s32 s9, s10;
	s10 =	sadd.s32 s13, s11  }
0x10: {  	s11 =	sadd.s32 s12, s11;
	s12 =	simm.s32 $0x5;
	s13 =	simm.s32 $0x80  }
.LBB2_1:
0x11: {  	[tilespmem:s2], [sflag:$0x5] =	stream.linear.gather [hbm4b:s4+s2], $0x80, $0x38;
	[tilespmem:$0x8100] =	vst v63  }
0x12: {  	_ =	swait.ge [sflag:s12], $0x80  }
0x13: {  	[sflag:s12] =	ssyncset.done $0x0  }
0x14: {  	[sflag:s12] =	ssyncadd.s32 $0xFFFFFF80  }
0x15: {  	[tilespmem:s14], [sflag:$0x1] =	stream.indirect.gather [hbm4b:s3+s13], $0x80, s2, s13, $0xb8;
	[tilespmem:$0x8100] =	vst v63  }
0x16: {  	_ = 	snop  }
0x17: {  	[tilespmem:s13], [sflag:$0x5] =	stream.linear.gather [hbm4b:s5+s2], $0x80, $0x38;
	[tilespmem:$0x8100] =	vst v63  }
0x18: {  	_ =	swait.ge [sflag:s12], $0x80  }
0x19: {  	[sflag:s12] =	ssyncset.done $0x0  }
0x1a: {  	[sflag:s12] =	ssyncadd.s32 $0xFFFFFF80  }
0x1b: {  	[tilespmem:s15], [sflag:$0x2] =	stream.indirect.gather [hbm4b:s3+s13], $0x80, s13, s13, $0xb8;
	[tilespmem:$0x8100] =	vst v63  }
0x1c: {  	_ =	swait.ge [sflag:s16], $0x4000  }
0x1d: {  	[sflag:s16] =	ssyncset.done $0x0  }
0x1e: {  	[sflag:s16] =	ssyncadd.s32 $0xFFFFC000  }
0x1f: {  	[hbm4b:s9+s2] =	stream.linear.scatter [tilespmem:s14], [sflag:$0x3], $0x4000, $0x38;
	[tilespmem:$0x8100] =	vst v63  }
0x20: {  	_ =	swait.ge [sflag:s17], $0x4000  }
0x21: {  	[sflag:s17] =	ssyncset.done $0x0  }
0x22: {  	s21 =	sadd.s32 $0x800, s9;
	[sflag:s17] =	ssyncadd.s32 $0xFFFFC000  }
0x23: {  	[hbm4b:s21+s2] =	stream.linear.scatter [tilespmem:s15], [sflag:$0x4], $0x4000, $0x38;
	[tilespmem:$0x8100] =	vst v63  }
0x24: {  	_ =	swait.ge [sflag:s18], $0x4000  }
0x25: {  	[sflag:s18] =	ssyncset.done $0x0  }
0x26: {  	s30 =	sadd.s32 $0x0, s11;
	[sflag:s18] =	ssyncadd.s32 $0xFFFFC000  }
0x27: {  	[tilespmem:s2], [sflag:$0x5] =	stream.linear.gather [hbm4b:s30+s2], $0x80, $0x38;
	[tilespmem:$0x8100] =	vst v63  }
0x28: {  	_ =	swait.ge [sflag:s12], $0x80  }
0x29: {  	[sflag:s12] =	ssyncset.done $0x0  }
0x2a: {  	[sflag:s12] =	ssyncadd.s32 $0xFFFFFF80  }
0x2b: {  	[tilespmem:s14], [sflag:$0x1] =	stream.indirect.gather [hbm4b:s3+s13], $0x80, s2, s13, $0xb8;
	[tilespmem:$0x8100] =	vst v63  }
0x2c: {  	_ =	swait.ge [sflag:s19], $0x4000  }
0x2d: {  	[sflag:s19] =	ssyncset.done $0x0  }
0x2e: {  	s31 =	sadd.s32 $0x0, s10;
	[sflag:s19] =	ssyncadd.s32 $0xFFFFC000  }
0x2f: {  	[tilespmem:s13], [sflag:$0x5] =	stream.linear.gather [hbm4b:s31+s2], $0x80, $0x38;
	[tilespmem:$0x8100] =	vst v63  }
0x30: {  	_ =	swait.ge [sflag:s12], $0x80  }
0x31: {  	[sflag:s12] =	ssyncset.done $0x0  }
0x32: {  	s22 =	sadd.s32 $0x1000, s9;
	s21 =	simm.s32 $0x20;
	[sflag:s12] =	ssyncadd.s32 $0xFFFFFF80  }
.LBB2_2:
0x33: {  	[tilespmem:s15], [sflag:$0x2] =	stream.indirect.gather [hbm4b:s3+s13], $0x80, s13, s13, $0xb8;
	[tilespmem:$0x8100] =	vst v63  }
0x34: {  	s23 =	smov.u32 s21  }
0x35: {  	p0 =	sne.s32 s21, $0x7C0;
	s21 =	sadd.s32 $0x20, s21;
	_ =	swait.ge [sflag:s16], $0x4000  }
0x36: {  	[sflag:s16] =	ssyncset.done $0x0  }
0x37: {  	[sflag:s16] =	ssyncadd.s32 $0xFFFFC000  }
0x38: {  	[hbm4b:s22+s2] =	stream.linear.scatter [tilespmem:s14], [sflag:$0x3], $0x4000, $0x38;
	[tilespmem:$0x8100] =	vst v63  }
0x39: {  	_ =	swait.ge [sflag:s17], $0x4000  }
0x3a: {  	[sflag:s17] =	ssyncset.done $0x0  }
0x3b: {  	s24 =	sadd.s32 $0x800, s22;
	[sflag:s17] =	ssyncadd.s32 $0xFFFFC000  }
0x3c: {  	[hbm4b:s24+s2] =	stream.linear.scatter [tilespmem:s15], [sflag:$0x4], $0x4000, $0x38;
	[tilespmem:$0x8100] =	vst v63  }
0x3d: {  	_ =	swait.ge [sflag:s18], $0x4000  }
0x3e: {  	[sflag:s18] =	ssyncset.done $0x0  }
0x3f: {  	s24 =	sadd.s32 s23, s11;
	[sflag:s18] =	ssyncadd.s32 $0xFFFFC000  }
0x40: {  	[tilespmem:s2], [sflag:$0x5] =	stream.linear.gather [hbm4b:s24+s2], $0x80, $0x38;
	[tilespmem:$0x8100] =	vst v63  }
0x41: {  	_ =	swait.ge [sflag:s12], $0x80  }
0x42: {  	[sflag:s12] =	ssyncset.done $0x0  }
0x43: {  	[sflag:s12] =	ssyncadd.s32 $0xFFFFFF80  }
0x44: {  	[tilespmem:s14], [sflag:$0x1] =	stream.indirect.gather [hbm4b:s3+s13], $0x80, s2, s13, $0xb8;
	[tilespmem:$0x8100] =	vst v63  }
0x45: {  	_ =	swait.ge [sflag:s19], $0x4000  }
0x46: {  	[sflag:s19] =	ssyncset.done $0x0  }
.Ltmp0:
0x47: {  	s23 =	sadd.s32 s23, s10;
	[sflag:s19] =	ssyncadd.s32 $0xFFFFC000;
	(pc) =	sbr.rel @p0 .LBB2_2-.Ltmp0, $4  }
0x48: {  	[tilespmem:s13], [sflag:$0x5] =	stream.linear.gather [hbm4b:s23+s2], $0x80, $0x38;
	[tilespmem:$0x8100] =	vst v63  }
0x49: {  	_ =	swait.ge [sflag:s12], $0x80  }
0x4a: {  	[sflag:s12] =	ssyncset.done $0x0  }
0x4b: {  	s22 =	sadd.s32 $0x1000, s22;
	[sflag:s12] =	ssyncadd.s32 $0xFFFFFF80  }
0x4c: {  	[tilespmem:s15], [sflag:$0x2] =	stream.indirect.gather [hbm4b:s3+s13], $0x80, s13, s13, $0xb8;
	[tilespmem:$0x8100] =	vst v63  }
0x4d: {  	_ =	swait.ge [sflag:s16], $0x4000  }
0x4e: {  	[sflag:s16] =	ssyncset.done $0x0  }
0x4f: {  	[sflag:s16] =	ssyncadd.s32 $0xFFFFC000  }
0x50: {  	[hbm4b:s6+s2] =	stream.linear.scatter [tilespmem:s14], [sflag:$0x3], $0x4000, $0x38;
	[tilespmem:$0x8100] =	vst v63  }
0x51: {  	_ =	swait.ge [sflag:s17], $0x4000  }
0x52: {  	[sflag:s17] =	ssyncset.done $0x0  }
0x53: {  	s20 =	sadd.s32 $0x1, s20;
	[sflag:s17] =	ssyncadd.s32 $0xFFFFC000  }
0x54: {  	[hbm4b:s7+s2] =	stream.linear.scatter [tilespmem:s15], [sflag:$0x4], $0x4000, $0x38;
	[tilespmem:$0x8100] =	vst v63  }
0x55: {  	p0 =	sne.s32 s20, s8;
	_ =	swait.ge [sflag:s18], $0x4000  }
.Ltmp1:
0x56: {  	[sflag:s18] =	ssyncset.done $0x0;
	(pc) =	sbr.rel @p0 .LBB2_1-.Ltmp1, $4  }
0x57: {  	[sflag:s18] =	ssyncadd.s32 $0xFFFFC000  }
0x58: {  	_ =	swait.ge [sflag:s19], $0x4000  }
0x59: {  	[sflag:s19] =	ssyncset.done $0x0  }
0x5a: {  	[sflag:s19] =	ssyncadd.s32 $0xFFFFC000  }
0x5b: {  	_ =	sfence.sel $0x180000  }
0x5c: {  	[bflag:$0x0] =	sbarrier.arrive $0xFFFF  }
0x5d: {  	p0 =	sne.s32 s1, $0x0;
	_ =	strace $0x9000004D  }
0x5e: {  	s0 =	sadd.s32 @!p0 $0x100000, s0;
	[bflag:$0x2] =	sbarrier.arrive $0xFFFF  }
0x5f: {  	[sflag:s0] =	ssyncadd.tile.s32 @!p0 $0x1;
	_ =	shalt  }
.Lfunc_end2:
_tile_overlayer_lowered:
.L_overlay_start_2:
0x60: {  	(tag) =	ssettag $0x2  }
0x61: {  	s0 =	rddreg [dreg:$0x0];
	s2 =	stileid.u32  }
0x62: {  	s1 =	rddreg [dreg:$0x1];
	p0 =	sne.s32 s2, $0x0  }
0x63: {  	s3 =	rddreg [dreg:$0x2];
	[bflag:$0x3] =	sbarrier.arrive $0xFFFF;
	s2 =	simm.s32 @!p0 $0x1C05  }
0x64: {  	[timem:s3], [sflag:s2] =	dma.local @!p0 [hbm:s0], s1  }
0x65: {  	s0 =	simm.s32 @!p0 $0x5  }
0x66: {  	_ =	swait.ge @!p0 [sflag:s0], s1  }
0x67: {  	s1 =	ssub.s32 @!p0 $0x0, s1;
	[sflag:s0] =	ssyncset.done @!p0 $0x0  }
0x68: {  	[sflag:s0] =	ssyncadd.s32 @!p0 s1  }
0x69: {  	[bflag:$0x3] =	sbarrier.arrive $0xFFFF  }
0x6a: {  	_ =	shalt  }

</sc_bundles>
